<compile_context>
chip_gen: v7x
topology: tpu7x:2x2x1
jax: 0.10.2.dev20260603
libtpu: 0.0.44.dev20260713+nightly
codegen_flags: <defaults>
</compile_context>

<pallas_src>
import functools

import jax
import jax.numpy as jnp
from jax import lax
from jax.experimental import pallas as pl
from jax.experimental.pallas import tpu as pltpu
from jax.experimental.pallas import tpu_sc as plsc

_P_SA0 = 0.1
_P_SA1 = 0.1
_G_SA0 = 0.003
_G_SA1 = 3e-06

_M = 16384
_N = 4096
_S = 7424
_NC = 2
_NS = 16
_NW = _NC * _NS
_ROWS_W = _S // _NW
_CR = 8
_CN = 2048
_CSTEPS_N = _N // _CN
_STEPS = (_ROWS_W // _CR) * _CSTEPS_N
_LANES = 16

_BM = 256


def _saf_chunk(xb, pb, ob):
    for r in range(_CR):
        @plsc.parallel_loop(0, _CN, step=_LANES, unroll=8)
        def _(c):
            sl = pl.ds(c, _LANES)
            pv = pb[r, sl]
            xv = xb[r, sl]
            ov = jnp.where(pv <= jnp.float32(_P_SA0), jnp.float32(_G_SA0), xv)
            ov = jnp.where(pv > jnp.float32(1.0 - _P_SA1), jnp.float32(_G_SA1), ov)
            ob[r, sl] = ov


_mesh = plsc.VectorSubcoreMesh(core_axis_name="c", subcore_axis_name="s")


@functools.partial(
    pl.kernel,
    mesh=_mesh,
    out_type=jax.ShapeDtypeStruct((_S, _N), jnp.float32),
    scratch_types=[
        pltpu.VMEM((2, _CR, _CN), jnp.float32),
        pltpu.VMEM((2, _CR, _CN), jnp.float32),
        pltpu.VMEM((2, _CR, _CN), jnp.float32),
        pltpu.SemaphoreType.DMA((2,)),
        pltpu.SemaphoreType.DMA((2,)),
        pltpu.SemaphoreType.DMA((2,)),
    ],
)
def _saf_sc(x_hbm, p_hbm, o_hbm, xb, pb, ob, lx_sem, lp_sem, st_sem):
    wid = lax.axis_index("s") * _NC + lax.axis_index("c")
    base = wid * _ROWS_W

    def chunk_slice(s):
        row = base + lax.div(s, _CSTEPS_N) * _CR
        col = lax.rem(s, _CSTEPS_N) * _CN
        return (pl.ds(row, _CR), pl.ds(col, _CN))

    def load(s, b):
        sl = chunk_slice(s)
        pltpu.make_async_copy(x_hbm.at[sl[0], sl[1]], xb.at[b], lx_sem.at[b]).start()
        pltpu.make_async_copy(p_hbm.at[sl[0], sl[1]], pb.at[b], lp_sem.at[b]).start()

    load(0, 0)
    load(1, 1)

    def step(s, _):
        b = lax.rem(s, 2)
        sl = chunk_slice(s)
        pltpu.make_async_copy(x_hbm.at[sl[0], sl[1]], xb.at[b], lx_sem.at[b]).wait()
        pltpu.make_async_copy(p_hbm.at[sl[0], sl[1]], pb.at[b], lp_sem.at[b]).wait()

        @pl.when(s >= 2)
        def _():
            sl_prev = chunk_slice(s - 2)
            pltpu.make_async_copy(ob.at[b], o_hbm.at[sl_prev[0], sl_prev[1]],
                                  st_sem.at[b]).wait()

        _saf_chunk(xb.at[b], pb.at[b], ob.at[b])
        pltpu.make_async_copy(ob.at[b], o_hbm.at[sl[0], sl[1]], st_sem.at[b]).start()

        @pl.when(s + 2 < _STEPS)
        def _():
            load(s + 2, b)

        return 0

    lax.fori_loop(0, _STEPS, step, 0)

    for s in range(_STEPS - 2, _STEPS):
        slf = chunk_slice(s)
        pltpu.make_async_copy(ob.at[s % 2], o_hbm.at[slf[0], slf[1]],
                              st_sem.at[s % 2]).wait()


def _saf_tc_body(x_ref, p_ref, o_ref):
    p = p_ref[...]
    out = jnp.where(p <= jnp.float32(_P_SA0), jnp.float32(_G_SA0), x_ref[...])
    o_ref[...] = jnp.where(p > jnp.float32(1.0 - _P_SA1), jnp.float32(_G_SA1), out)


def _saf_tc(input, p_state):
    nrows = _M - _S
    off = _S // _BM
    return pl.pallas_call(
        _saf_tc_body,
        grid=(nrows // _BM,),
        in_specs=[
            pl.BlockSpec((_BM, _N), lambda i: (i + off, 0)),
            pl.BlockSpec((_BM, _N), lambda i: (i + off, 0)),
        ],
        out_specs=pl.BlockSpec((_BM, _N), lambda i: (i, 0)),
        out_shape=jax.ShapeDtypeStruct((nrows, _N), jnp.float32),
    )(input, p_state)


def kernel(input, p_state):
    top = _saf_sc(input, p_state)
    bot = _saf_tc(input, p_state)
    return jnp.concatenate([top, bot], axis=0)

# --- scband reference (transcript-rebuilt; emitter-appended) ---
"""Pipeline reference for scband-saf-17334488006744 (READ-ONLY COPY).

The authoritative reference and input builder live on the scoring server;
editing this copy changes nothing except your own understanding.
"""

import jax, jax.numpy as jnp
import numpy as np

P_SA0 = 0.1
P_SA1 = 0.1
G_SA0 = 0.003
G_SA1 = 3e-06


def setup_inputs(seed: int = 0) -> dict:
    key = jax.random.key(seed)
    k1, k2 = jax.random.split(key)
    inp = jax.random.normal(k1, (16384, 4096), dtype=jnp.float32)
    p_state = jax.random.uniform(k2, (16384, 4096), dtype=jnp.float32)
    return {"input": inp, "p_state": p_state}


def reference(input, p_state):
    # output = input.clone(); output[p_state <= p_SA0] = G_SA0; output[p_state > 1 - p_SA1] = G_SA1
    out = jnp.where(p_state <= P_SA0, jnp.float32(G_SA0), input)
    out = jnp.where(p_state > (1.0 - P_SA1), jnp.float32(G_SA1), out)
    return out

if __name__ == "__main__":
    import jax
    _d = setup_inputs()
    print(jax.jit(kernel)(*tuple(_d.values())))

</pallas_src>

<mosaic_0001>
#map = affine_map<(d0, d1) -> (0, 0)>
module attributes {stable_mosaic.version = 14 : i64} {
  func.func @_saf_sc(%arg0: i32, %arg1: i32, %arg2: memref<16384x4096xf32, #tpu.memory_space<hbm>>, %arg3: memref<16384x4096xf32, #tpu.memory_space<hbm>>, %arg4: memref<7424x4096xf32, #tpu.memory_space<hbm>>, %arg5: memref<2x8x2048xf32, #tpu.memory_space<vmem>>, %arg6: memref<2x8x2048xf32, #tpu.memory_space<vmem>>, %arg7: memref<2x8x2048xf32, #tpu.memory_space<vmem>>, %arg8: memref<2x!tpu.dma_semaphore, #tpu.memory_space<semaphore_mem>>, %arg9: memref<2x!tpu.dma_semaphore, #tpu.memory_space<semaphore_mem>>, %arg10: memref<2x!tpu.dma_semaphore, #tpu.memory_space<semaphore_mem>>) attributes {dimension_semantics = [#tpu.dimension_semantics<core_parallel>, #tpu.dimension_semantics<subcore_parallel>], iteration_bounds = array<i64: 2, 16>, scalar_prefetch = 0 : i64, scratch_operands = 6 : i64, tpu.core_type = #tpu.core_type<sc_vector_subcore>, window_params = [{transform_indices = #map}, {transform_indices = #map}, {transform_indices = #map}]} {
    %mul3A = arith.constant 2 : i32
    %mul3A_0 = arith.muli %arg1, %mul3A : i32
    %add3A = arith.addi %mul3A_0, %arg0 : i32
    %mul3A_1 = arith.constant 232 : i32
    %mul3A_2 = arith.muli %add3A, %mul3A_1 : i32
    %div3A = arith.constant 0 : i32
    %div3A_3 = arith.constant 2 : i32
    %div3A_4 = arith.divsi %div3A, %div3A_3 : i32
    %mul3A_5 = arith.constant 8 : i32
    %mul3A_6 = arith.muli %div3A_4, %mul3A_5 : i32
    %add3A_7 = arith.addi %mul3A_2, %mul3A_6 : i32
    %rem3A = arith.constant 0 : i32
    %rem3A_8 = arith.constant 2 : i32
    %rem3A_9 = arith.remsi %rem3A, %rem3A_8 : i32
    %mul3A_10 = arith.constant 2048 : i32
    %mul3A_11 = arith.muli %rem3A_9, %mul3A_10 : i32
    %dma_start3A = arith.constant 0 : i32
    %dma_start3A_12 = arith.constant 0 : i32
    %dma_start3A_13 = arith.constant 0 : i32
    %dma_start3A_14 = arith.constant 0 : i32
    %dma_start3A_15 = tpu.memref_slice %arg5[%dma_start3A, %dma_start3A_13, %dma_start3A_14] : memref<2x8x2048xf32, #tpu.memory_space<vmem>> -> memref<1x8x2048xf32, #tpu.memory_space<vmem>>
    %dma_start3A_16 = tpu.memref_squeeze %dma_start3A_15 : memref<1x8x2048xf32, #tpu.memory_space<vmem>> -> memref<8x2048xf32, #tpu.memory_space<vmem>>
    %dma_start3A_17 = tpu.memref_slice %arg2[%add3A_7, %mul3A_11] : memref<16384x4096xf32, #tpu.memory_space<hbm>> -> memref<8x2048xf32, #tpu.memory_space<hbm>>
    %dma_start3A_18 = tpu.memref_slice %arg8[%dma_start3A_12] : memref<2x!tpu.dma_semaphore, #tpu.memory_space<semaphore_mem>> -> memref<1x!tpu.dma_semaphore, #tpu.memory_space<semaphore_mem>>
    %dma_start3A_19 = tpu.memref_squeeze %dma_start3A_18 : memref<1x!tpu.dma_semaphore, #tpu.memory_space<semaphore_mem>> -> memref<!tpu.dma_semaphore, #tpu.memory_space<semaphore_mem>>
    %dma_start3A_20 = arith.constant 0 : i32
    %dma_start3A_21 = arith.constant 0 : i32
    %dma_start3A_22 = tpu.memref_slice %arg5[%dma_start3A, %dma_start3A_20, %dma_start3A_21] : memref<2x8x2048xf32, #tpu.memory_space<vmem>> -> memref<1x8x2048xf32, #tpu.memory_space<vmem>>
    %dma_start3A_23 = tpu.memref_squeeze %dma_start3A_22 : memref<1x8x2048xf32, #tpu.memory_space<vmem>> -> memref<8x2048xf32, #tpu.memory_space<vmem>>
    %dma_start3A_24 = tpu.memref_slice %arg2[%add3A_7, %mul3A_11] : memref<16384x4096xf32, #tpu.memory_space<hbm>> -> memref<8x2048xf32, #tpu.memory_space<hbm>>
    tpu.enqueue_dma source(%dma_start3A_24 : memref<8x2048xf32, #tpu.memory_space<hbm>>) target(%dma_start3A_23 : memref<8x2048xf32, #tpu.memory_space<vmem>>) target_semaphore(%dma_start3A_19 : memref<!tpu.dma_semaphore, #tpu.memory_space<semaphore_mem>>)
    %dma_start3A_25 = arith.constant 0 : i32
    %dma_start3A_26 = arith.constant 0 : i32
    %dma_start3A_27 = arith.constant 0 : i32
    %dma_start3A_28 = arith.constant 0 : i32
    %dma_start3A_29 = tpu.memref_slice %arg6[%dma_start3A_25, %dma_start3A_27, %dma_start3A_28] : memref<2x8x2048xf32, #tpu.memory_space<vmem>> -> memref<1x8x2048xf32, #tpu.memory_space<vmem>>
    %dma_start3A_30 = tpu.memref_squeeze %dma_start3A_29 : memref<1x8x2048xf32, #tpu.memory_space<vmem>> -> memref<8x2048xf32, #tpu.memory_space<vmem>>
    %dma_start3A_31 = tpu.memref_slice %arg3[%add3A_7, %mul3A_11] : memref<16384x4096xf32, #tpu.memory_space<hbm>> -> memref<8x2048xf32, #tpu.memory_space<hbm>>
    %dma_start3A_32 = tpu.memref_slice %arg9[%dma_start3A_26] : memref<2x!tpu.dma_semaphore, #tpu.memory_space<semaphore_mem>> -> memref<1x!tpu.dma_semaphore, #tpu.memory_space<semaphore_mem>>
    %dma_start3A_33 = tpu.memref_squeeze %dma_start3A_32 : memref<1x!tpu.dma_semaphore, #tpu.memory_space<semaphore_mem>> -> memref<!tpu.dma_semaphore, #tpu.memory_space<semaphore_mem>>
    %dma_start3A_34 = arith.constant 0 : i32
    %dma_start3A_35 = arith.constant 0 : i32
    %dma_start3A_36 = tpu.memref_slice %arg6[%dma_start3A_25, %dma_start3A_34, %dma_start3A_35] : memref<2x8x2048xf32, #tpu.memory_space<vmem>> -> memref<1x8x2048xf32, #tpu.memory_space<vmem>>
    %dma_start3A_37 = tpu.memref_squeeze %dma_start3A_36 : memref<1x8x2048xf32, #tpu.memory_space<vmem>> -> memref<8x2048xf32, #tpu.memory_space<vmem>>
    %dma_start3A_38 = tpu.memref_slice %arg3[%add3A_7, %mul3A_11] : memref<16384x4096xf32, #tpu.memory_space<hbm>> -> memref<8x2048xf32, #tpu.memory_space<hbm>>
    tpu.enqueue_dma source(%dma_start3A_38 : memref<8x2048xf32, #tpu.memory_space<hbm>>) target(%dma_start3A_37 : memref<8x2048xf32, #tpu.memory_space<vmem>>) target_semaphore(%dma_start3A_33 : memref<!tpu.dma_semaphore, #tpu.memory_space<semaphore_mem>>)
    %div3A_39 = arith.constant 1 : i32
    %div3A_40 = arith.constant 2 : i32
    %div3A_41 = arith.divsi %div3A_39, %div3A_40 : i32
    %mul3A_42 = arith.constant 8 : i32
    %mul3A_43 = arith.muli %div3A_41, %mul3A_42 : i32
    %add3A_44 = arith.addi %mul3A_2, %mul3A_43 : i32
    %rem3A_45 = arith.constant 1 : i32
    %rem3A_46 = arith.constant 2 : i32
    %rem3A_47 = arith.remsi %rem3A_45, %rem3A_46 : i32
    %mul3A_48 = arith.constant 2048 : i32
    %mul3A_49 = arith.muli %rem3A_47, %mul3A_48 : i32
    %dma_start3A_50 = arith.constant 1 : i32
    %dma_start3A_51 = arith.constant 1 : i32
    %dma_start3A_52 = arith.constant 0 : i32
    %dma_start3A_53 = arith.constant 0 : i32
    %dma_start3A_54 = tpu.memref_slice %arg5[%dma_start3A_50, %dma_start3A_52, %dma_start3A_53] : memref<2x8x2048xf32, #tpu.memory_space<vmem>> -> memref<1x8x2048xf32, #tpu.memory_space<vmem>>
    %dma_start3A_55 = tpu.memref_squeeze %dma_start3A_54 : memref<1x8x2048xf32, #tpu.memory_space<vmem>> -> memref<8x2048xf32, #tpu.memory_space<vmem>>
    %dma_start3A_56 = tpu.memref_slice %arg2[%add3A_44, %mul3A_49] : memref<16384x4096xf32, #tpu.memory_space<hbm>> -> memref<8x2048xf32, #tpu.memory_space<hbm>>
    %dma_start3A_57 = tpu.memref_slice %arg8[%dma_start3A_51] : memref<2x!tpu.dma_semaphore, #tpu.memory_space<semaphore_mem>> -> memref<1x!tpu.dma_semaphore, #tpu.memory_space<semaphore_mem>>
    %dma_start3A_58 = tpu.memref_squeeze %dma_start3A_57 : memref<1x!tpu.dma_semaphore, #tpu.memory_space<semaphore_mem>> -> memref<!tpu.dma_semaphore, #tpu.memory_space<semaphore_mem>>
    %dma_start3A_59 = arith.constant 0 : i32
    %dma_start3A_60 = arith.constant 0 : i32
    %dma_start3A_61 = tpu.memref_slice %arg5[%dma_start3A_50, %dma_start3A_59, %dma_start3A_60] : memref<2x8x2048xf32, #tpu.memory_space<vmem>> -> memref<1x8x2048xf32, #tpu.memory_space<vmem>>
    %dma_start3A_62 = tpu.memref_squeeze %dma_start3A_61 : memref<1x8x2048xf32, #tpu.memory_space<vmem>> -> memref<8x2048xf32, #tpu.memory_space<vmem>>
    %dma_start3A_63 = tpu.memref_slice %arg2[%add3A_44, %mul3A_49] : memref<16384x4096xf32, #tpu.memory_space<hbm>> -> memref<8x2048xf32, #tpu.memory_space<hbm>>
    tpu.enqueue_dma source(%dma_start3A_63 : memref<8x2048xf32, #tpu.memory_space<hbm>>) target(%dma_start3A_62 : memref<8x2048xf32, #tpu.memory_space<vmem>>) target_semaphore(%dma_start3A_58 : memref<!tpu.dma_semaphore, #tpu.memory_space<semaphore_mem>>)
    %dma_start3A_64 = arith.constant 1 : i32
    %dma_start3A_65 = arith.constant 1 : i32
    %dma_start3A_66 = arith.constant 0 : i32
    %dma_start3A_67 = arith.constant 0 : i32
    %dma_start3A_68 = tpu.memref_slice %arg6[%dma_start3A_64, %dma_start3A_66, %dma_start3A_67] : memref<2x8x2048xf32, #tpu.memory_space<vmem>> -> memref<1x8x2048xf32, #tpu.memory_space<vmem>>
    %dma_start3A_69 = tpu.memref_squeeze %dma_start3A_68 : memref<1x8x2048xf32, #tpu.memory_space<vmem>> -> memref<8x2048xf32, #tpu.memory_space<vmem>>
    %dma_start3A_70 = tpu.memref_slice %arg3[%add3A_44, %mul3A_49] : memref<16384x4096xf32, #tpu.memory_space<hbm>> -> memref<8x2048xf32, #tpu.memory_space<hbm>>
    %dma_start3A_71 = tpu.memref_slice %arg9[%dma_start3A_65] : memref<2x!tpu.dma_semaphore, #tpu.memory_space<semaphore_mem>> -> memref<1x!tpu.dma_semaphore, #tpu.memory_space<semaphore_mem>>
    %dma_start3A_72 = tpu.memref_squeeze %dma_start3A_71 : memref<1x!tpu.dma_semaphore, #tpu.memory_space<semaphore_mem>> -> memref<!tpu.dma_semaphore, #tpu.memory_space<semaphore_mem>>
    %dma_start3A_73 = arith.constant 0 : i32
    %dma_start3A_74 = arith.constant 0 : i32
    %dma_start3A_75 = tpu.memref_slice %arg6[%dma_start3A_64, %dma_start3A_73, %dma_start3A_74] : memref<2x8x2048xf32, #tpu.memory_space<vmem>> -> memref<1x8x2048xf32, #tpu.memory_space<vmem>>
    %dma_start3A_76 = tpu.memref_squeeze %dma_start3A_75 : memref<1x8x2048xf32, #tpu.memory_space<vmem>> -> memref<8x2048xf32, #tpu.memory_space<vmem>>
    %dma_start3A_77 = tpu.memref_slice %arg3[%add3A_44, %mul3A_49] : memref<16384x4096xf32, #tpu.memory_space<hbm>> -> memref<8x2048xf32, #tpu.memory_space<hbm>>
    tpu.enqueue_dma source(%dma_start3A_77 : memref<8x2048xf32, #tpu.memory_space<hbm>>) target(%dma_start3A_76 : memref<8x2048xf32, #tpu.memory_space<vmem>>) target_semaphore(%dma_start3A_72 : memref<!tpu.dma_semaphore, #tpu.memory_space<semaphore_mem>>)
    %scan3A = arith.constant 0 : i32
    %scan3A_78 = arith.constant 0 : i32
    %scan3A_79 = arith.constant 58 : i32
    %scan3A_80 = arith.addi %scan3A_78, %scan3A_79 : i32
    %scan3A_81 = arith.constant 1 : i32
    %scan3A_82 = scf.for %scan3A_133 = %scan3A_78 to %scan3A_80 step %scan3A_81 iter_args(%scan3A_134 = %scan3A) -> (i32)  : i32 {
      %rem3A_135 = arith.constant 2 : i32
      %rem3A_136 = arith.remsi %scan3A_133, %rem3A_135 : i32
      %div3A_137 = arith.constant 2 : i32
      %div3A_138 = arith.divsi %scan3A_133, %div3A_137 : i32
      %mul3A_139 = arith.constant 8 : i32
      %mul3A_140 = arith.muli %div3A_138, %mul3A_139 : i32
      %add3A_141 = arith.addi %mul3A_2, %mul3A_140 : i32
      %rem3A_142 = arith.constant 2 : i32
      %rem3A_143 = arith.remsi %scan3A_133, %rem3A_142 : i32
      %mul3A_144 = arith.constant 2048 : i32
      %mul3A_145 = arith.muli %rem3A_143, %mul3A_144 : i32
      %dma_wait3A_146 = arith.constant 0 : i32
      %dma_wait3A_147 = arith.constant 0 : i32
      %dma_wait3A_148 = tpu.memref_slice %arg5[%rem3A_136, %dma_wait3A_146, %dma_wait3A_147] : memref<2x8x2048xf32, #tpu.memory_space<vmem>> -> memref<1x8x2048xf32, #tpu.memory_space<vmem>>
      %dma_wait3A_149 = tpu.memref_squeeze %dma_wait3A_148 : memref<1x8x2048xf32, #tpu.memory_space<vmem>> -> memref<8x2048xf32, #tpu.memory_space<vmem>>
      %dma_wait3A_150 = tpu.memref_slice %arg2[%add3A_141, %mul3A_145] : memref<16384x4096xf32, #tpu.memory_space<hbm>> -> memref<8x2048xf32, #tpu.memory_space<hbm>>
      %dma_wait3A_151 = tpu.memref_slice %arg8[%rem3A_136] : memref<2x!tpu.dma_semaphore, #tpu.memory_space<semaphore_mem>> -> memref<1x!tpu.dma_semaphore, #tpu.memory_space<semaphore_mem>>
      %dma_wait3A_152 = tpu.memref_squeeze %dma_wait3A_151 : memref<1x!tpu.dma_semaphore, #tpu.memory_space<semaphore_mem>> -> memref<!tpu.dma_semaphore, #tpu.memory_space<semaphore_mem>>
      %dma_wait3A_153 = arith.constant 0 : i32
      %dma_wait3A_154 = arith.constant 0 : i32
      %dma_wait3A_155 = tpu.memref_slice %arg5[%rem3A_136, %dma_wait3A_153, %dma_wait3A_154] : memref<2x8x2048xf32, #tpu.memory_space<vmem>> -> memref<1x8x2048xf32, #tpu.memory_space<vmem>>
      %dma_wait3A_156 = tpu.memref_squeeze %dma_wait3A_155 : memref<1x8x2048xf32, #tpu.memory_space<vmem>> -> memref<8x2048xf32, #tpu.memory_space<vmem>>
      %dma_wait3A_157 = tpu.memref_slice %arg2[%add3A_141, %mul3A_145] : memref<16384x4096xf32, #tpu.memory_space<hbm>> -> memref<8x2048xf32, #tpu.memory_space<hbm>>
      tpu.wait_dma2 semaphore(%dma_wait3A_152 : memref<!tpu.dma_semaphore, #tpu.memory_space<semaphore_mem>>) src(%dma_wait3A_157 : memref<8x2048xf32, #tpu.memory_space<hbm>>) dst(%dma_wait3A_156 : memref<8x2048xf32, #tpu.memory_space<vmem>>)
      %dma_wait3A_158 = arith.constant 0 : i32
      %dma_wait3A_159 = arith.constant 0 : i32
      %dma_wait3A_160 = tpu.memref_slice %arg6[%rem3A_136, %dma_wait3A_158, %dma_wait3A_159] : memref<2x8x2048xf32, #tpu.memory_space<vmem>> -> memref<1x8x2048xf32, #tpu.memory_space<vmem>>
      %dma_wait3A_161 = tpu.memref_squeeze %dma_wait3A_160 : memref<1x8x2048xf32, #tpu.memory_space<vmem>> -> memref<8x2048xf32, #tpu.memory_space<vmem>>
      %dma_wait3A_162 = tpu.memref_slice %arg3[%add3A_141, %mul3A_145] : memref<16384x4096xf32, #tpu.memory_space<hbm>> -> memref<8x2048xf32, #tpu.memory_space<hbm>>
      %dma_wait3A_163 = tpu.memref_slice %arg9[%rem3A_136] : memref<2x!tpu.dma_semaphore, #tpu.memory_space<semaphore_mem>> -> memref<1x!tpu.dma_semaphore, #tpu.memory_space<semaphore_mem>>
      %dma_wait3A_164 = tpu.memref_squeeze %dma_wait3A_163 : memref<1x!tpu.dma_semaphore, #tpu.memory_space<semaphore_mem>> -> memref<!tpu.dma_semaphore, #tpu.memory_space<semaphore_mem>>
      %dma_wait3A_165 = arith.constant 0 : i32
      %dma_wait3A_166 = arith.constant 0 : i32
      %dma_wait3A_167 = tpu.memref_slice %arg6[%rem3A_136, %dma_wait3A_165, %dma_wait3A_166] : memref<2x8x2048xf32, #tpu.memory_space<vmem>> -> memref<1x8x2048xf32, #tpu.memory_space<vmem>>
      %dma_wait3A_168 = tpu.memref_squeeze %dma_wait3A_167 : memref<1x8x2048xf32, #tpu.memory_space<vmem>> -> memref<8x2048xf32, #tpu.memory_space<vmem>>
      %dma_wait3A_169 = tpu.memref_slice %arg3[%add3A_141, %mul3A_145] : memref<16384x4096xf32, #tpu.memory_space<hbm>> -> memref<8x2048xf32, #tpu.memory_space<hbm>>
      tpu.wait_dma2 semaphore(%dma_wait3A_164 : memref<!tpu.dma_semaphore, #tpu.memory_space<semaphore_mem>>) src(%dma_wait3A_169 : memref<8x2048xf32, #tpu.memory_space<hbm>>) dst(%dma_wait3A_168 : memref<8x2048xf32, #tpu.memory_space<vmem>>)
      %ge3A = arith.constant 2 : i32
      %ge3A_170 = arith.cmpi sge, %scan3A_133, %ge3A : i32
      %convert_element_type3A = arith.extui %ge3A_170 : i1 to i32
      %cond3A = arith.constant 0 : i32
      %cond3A_171 = arith.cmpi ne, %convert_element_type3A, %cond3A : i32
      scf.if %cond3A_171 {
        %sub3A = arith.constant 2 : i32
        %sub3A_214 = arith.subi %scan3A_133, %sub3A : i32
        %div3A_215 = arith.constant 2 : i32
        %div3A_216 = arith.divsi %sub3A_214, %div3A_215 : i32
        %mul3A_217 = arith.constant 8 : i32
        %mul3A_218 = arith.muli %div3A_216, %mul3A_217 : i32
        %add3A_219 = arith.addi %mul3A_2, %mul3A_218 : i32
        %rem3A_220 = arith.constant 2 : i32
        %rem3A_221 = arith.remsi %sub3A_214, %rem3A_220 : i32
        %mul3A_222 = arith.constant 2048 : i32
        %mul3A_223 = arith.muli %rem3A_221, %mul3A_222 : i32
        %dma_wait3A_224 = arith.constant 0 : i32
        %dma_wait3A_225 = arith.constant 0 : i32
        %dma_wait3A_226 = tpu.memref_slice %arg7[%rem3A_136, %dma_wait3A_224, %dma_wait3A_225] : memref<2x8x2048xf32, #tpu.memory_space<vmem>> -> memref<1x8x2048xf32, #tpu.memory_space<vmem>>
        %dma_wait3A_227 = tpu.memref_squeeze %dma_wait3A_226 : memref<1x8x2048xf32, #tpu.memory_space<vmem>> -> memref<8x2048xf32, #tpu.memory_space<vmem>>
        %dma_wait3A_228 = tpu.memref_slice %arg4[%add3A_219, %mul3A_223] : memref<7424x4096xf32, #tpu.memory_space<hbm>> -> memref<8x2048xf32, #tpu.memory_space<hbm>>
        %dma_wait3A_229 = tpu.memref_slice %arg10[%rem3A_136] : memref<2x!tpu.dma_semaphore, #tpu.memory_space<semaphore_mem>> -> memref<1x!tpu.dma_semaphore, #tpu.memory_space<semaphore_mem>>
        %dma_wait3A_230 = tpu.memref_squeeze %dma_wait3A_229 : memref<1x!tpu.dma_semaphore, #tpu.memory_space<semaphore_mem>> -> memref<!tpu.dma_semaphore, #tpu.memory_space<semaphore_mem>>
        %dma_wait3A_231 = tpu.memref_slice %arg4[%add3A_219, %mul3A_223] : memref<7424x4096xf32, #tpu.memory_space<hbm>> -> memref<8x2048xf32, #tpu.memory_space<hbm>>
        %dma_wait3A_232 = arith.constant 0 : i32
        %dma_wait3A_233 = arith.constant 0 : i32
        %dma_wait3A_234 = tpu.memref_slice %arg7[%rem3A_136, %dma_wait3A_232, %dma_wait3A_233] : memref<2x8x2048xf32, #tpu.memory_space<vmem>> -> memref<1x8x2048xf32, #tpu.memory_space<vmem>>
        %dma_wait3A_235 = tpu.memref_squeeze %dma_wait3A_234 : memref<1x8x2048xf32, #tpu.memory_space<vmem>> -> memref<8x2048xf32, #tpu.memory_space<vmem>>
        tpu.wait_dma2 semaphore(%dma_wait3A_230 : memref<!tpu.dma_semaphore, #tpu.memory_space<semaphore_mem>>) src(%dma_wait3A_235 : memref<8x2048xf32, #tpu.memory_space<vmem>>) dst(%dma_wait3A_231 : memref<8x2048xf32, #tpu.memory_space<hbm>>)
      } else {
      }
      %parallel_loop3A = arith.constant 0 : i32
      %parallel_loop3A_172 = arith.constant 2048 : i32
      %parallel_loop3A_173 = arith.constant 16 : i32
      scf.for %parallel_loop3A_214 = %parallel_loop3A to %parallel_loop3A_172 step %parallel_loop3A_173  : i32 {
        %parallel_loop3A_215 = arith.constant 0 : i32
        %parallel_loop3A_216 = arith.constant 0 : i32
        %parallel_loop3A_217 = arith.constant 0 : i32
        %parallel_loop3A_218 = tpu.memref_slice %arg6[%rem3A_136, %parallel_loop3A_216, %parallel_loop3A_217] : memref<2x8x2048xf32, #tpu.memory_space<vmem>> -> memref<1x8x2048xf32, #tpu.memory_space<vmem>>
        %parallel_loop3A_219 = tpu.memref_squeeze %parallel_loop3A_218 : memref<1x8x2048xf32, #tpu.memory_space<vmem>> -> memref<8x2048xf32, #tpu.memory_space<vmem>>
        %parallel_loop3A_220 = arith.index_cast %parallel_loop3A_215 : i32 to index
        %parallel_loop3A_221 = arith.index_cast %parallel_loop3A_214 : i32 to index
        %parallel_loop3A_222 = tpu.vector_load %parallel_loop3A_219[%parallel_loop3A_220, %parallel_loop3A_221] {strides = array<i32>} : memref<8x2048xf32, #tpu.memory_space<vmem>>, vector<1x16xf32>,
        %parallel_loop3A_223 = vector.shape_cast %parallel_loop3A_222 : vector<1x16xf32> to vector<16xf32>
        %parallel_loop3A_224 = arith.constant 0 : i32
        %parallel_loop3A_225 = arith.constant 0 : i32
        %parallel_loop3A_226 = arith.constant 0 : i32
        %parallel_loop3A_227 = tpu.memref_slice %arg5[%rem3A_136, %parallel_loop3A_225, %parallel_loop3A_226] : memref<2x8x2048xf32, #tpu.memory_space<vmem>> -> memref<1x8x2048xf32, #tpu.memory_space<vmem>>
        %parallel_loop3A_228 = tpu.memref_squeeze %parallel_loop3A_227 : memref<1x8x2048xf32, #tpu.memory_space<vmem>> -> memref<8x2048xf32, #tpu.memory_space<vmem>>
        %parallel_loop3A_229 = arith.index_cast %parallel_loop3A_224 : i32 to index
        %parallel_loop3A_230 = arith.index_cast %parallel_loop3A_214 : i32 to index
        %parallel_loop3A_231 = tpu.vector_load %parallel_loop3A_228[%parallel_loop3A_229, %parallel_loop3A_230] {strides = array<i32>} : memref<8x2048xf32, #tpu.memory_space<vmem>>, vector<1x16xf32>,
        %parallel_loop3A_232 = vector.shape_cast %parallel_loop3A_231 : vector<1x16xf32> to vector<16xf32>
        %parallel_loop3A_233 = arith.constant 1.000000e-01 : f32
        %parallel_loop3A_234 = vector.broadcast %parallel_loop3A_233 : f32 to vector<16xf32>
        %parallel_loop3A_235 = arith.cmpf ole, %parallel_loop3A_223, %parallel_loop3A_234 : vector<16xf32>
        %parallel_loop3A_236 = arith.constant 3.000000e-03 : f32
        %parallel_loop3A_237 = vector.broadcast %parallel_loop3A_236 : f32 to vector<16xf32>
        %parallel_loop3A_238 = arith.select %parallel_loop3A_235, %parallel_loop3A_237, %parallel_loop3A_232 : vector<16xi1>, vector<16xf32>
        %parallel_loop3A_239 = arith.constant 0.899999976 : f32
        %parallel_loop3A_240 = vector.broadcast %parallel_loop3A_239 : f32 to vector<16xf32>
        %parallel_loop3A_241 = arith.cmpf ogt, %parallel_loop3A_223, %parallel_loop3A_240 : vector<16xf32>
        %parallel_loop3A_242 = arith.constant 3.000000e-06 : f32
        %parallel_loop3A_243 = vector.broadcast %parallel_loop3A_242 : f32 to vector<16xf32>
        %parallel_loop3A_244 = arith.select %parallel_loop3A_241, %parallel_loop3A_243, %parallel_loop3A_238 : vector<16xi1>, vector<16xf32>
        %parallel_loop3A_245 = arith.constant 0 : i32
        %parallel_loop3A_246 = arith.constant 0 : i32
        %parallel_loop3A_247 = arith.constant 0 : i32
        %parallel_loop3A_248 = tpu.memref_slice %arg7[%rem3A_136, %parallel_loop3A_246, %parallel_loop3A_247] : memref<2x8x2048xf32, #tpu.memory_space<vmem>> -> memref<1x8x2048xf32, #tpu.memory_space<vmem>>
        %parallel_loop3A_249 = tpu.memref_squeeze %parallel_loop3A_248 : memref<1x8x2048xf32, #tpu.memory_space<vmem>> -> memref<8x2048xf32, #tpu.memory_space<vmem>>
        %parallel_loop3A_250 = arith.index_cast %parallel_loop3A_245 : i32 to index
        %parallel_loop3A_251 = arith.index_cast %parallel_loop3A_214 : i32 to index
        %parallel_loop3A_252 = tpu.vector_load %parallel_loop3A_249[%parallel_loop3A_250, %parallel_loop3A_251] {strides = array<i32>} : memref<8x2048xf32, #tpu.memory_space<vmem>>, vector<1x16xf32>,
        %parallel_loop3A_253 = vector.shape_cast %parallel_loop3A_252 : vector<1x16xf32> to vector<16xf32>
        %parallel_loop3A_254 = vector.shape_cast %parallel_loop3A_244 : vector<16xf32> to vector<1x16xf32>
        tpu.vector_store %parallel_loop3A_249[%parallel_loop3A_250, %parallel_loop3A_251], %parallel_loop3A_254 {strides = array<i32>} : memref<8x2048xf32, #tpu.memory_space<vmem>>, vector<1x16xf32>,
      } {sc.loop_unroll_factor = 8 : i64, sc.parallel_access}
      %parallel_loop3A_174 = arith.constant 0 : i32
      %parallel_loop3A_175 = arith.constant 2048 : i32
      %parallel_loop3A_176 = arith.constant 16 : i32
      scf.for %parallel_loop3A_214 = %parallel_loop3A_174 to %parallel_loop3A_175 step %parallel_loop3A_176  : i32 {
        %parallel_loop3A_215 = arith.constant 1 : i32
        %parallel_loop3A_216 = arith.constant 0 : i32
        %parallel_loop3A_217 = arith.constant 0 : i32
        %parallel_loop3A_218 = tpu.memref_slice %arg6[%rem3A_136, %parallel_loop3A_216, %parallel_loop3A_217] : memref<2x8x2048xf32, #tpu.memory_space<vmem>> -> memref<1x8x2048xf32, #tpu.memory_space<vmem>>
        %parallel_loop3A_219 = tpu.memref_squeeze %parallel_loop3A_218 : memref<1x8x2048xf32, #tpu.memory_space<vmem>> -> memref<8x2048xf32, #tpu.memory_space<vmem>>
        %parallel_loop3A_220 = arith.index_cast %parallel_loop3A_215 : i32 to index
        %parallel_loop3A_221 = arith.index_cast %parallel_loop3A_214 : i32 to index
        %parallel_loop3A_222 = tpu.vector_load %parallel_loop3A_219[%parallel_loop3A_220, %parallel_loop3A_221] {strides = array<i32>} : memref<8x2048xf32, #tpu.memory_space<vmem>>, vector<1x16xf32>,
        %parallel_loop3A_223 = vector.shape_cast %parallel_loop3A_222 : vector<1x16xf32> to vector<16xf32>
        %parallel_loop3A_224 = arith.constant 1 : i32
        %parallel_loop3A_225 = arith.constant 0 : i32
        %parallel_loop3A_226 = arith.constant 0 : i32
        %parallel_loop3A_227 = tpu.memref_slice %arg5[%rem3A_136, %parallel_loop3A_225, %parallel_loop3A_226] : memref<2x8x2048xf32, #tpu.memory_space<vmem>> -> memref<1x8x2048xf32, #tpu.memory_space<vmem>>
        %parallel_loop3A_228 = tpu.memref_squeeze %parallel_loop3A_227 : memref<1x8x2048xf32, #tpu.memory_space<vmem>> -> memref<8x2048xf32, #tpu.memory_space<vmem>>
        %parallel_loop3A_229 = arith.index_cast %parallel_loop3A_224 : i32 to index
        %parallel_loop3A_230 = arith.index_cast %parallel_loop3A_214 : i32 to index
        %parallel_loop3A_231 = tpu.vector_load %parallel_loop3A_228[%parallel_loop3A_229, %parallel_loop3A_230] {strides = array<i32>} : memref<8x2048xf32, #tpu.memory_space<vmem>>, vector<1x16xf32>,
        %parallel_loop3A_232 = vector.shape_cast %parallel_loop3A_231 : vector<1x16xf32> to vector<16xf32>
        %parallel_loop3A_233 = arith.constant 1.000000e-01 : f32
        %parallel_loop3A_234 = vector.broadcast %parallel_loop3A_233 : f32 to vector<16xf32>
        %parallel_loop3A_235 = arith.cmpf ole, %parallel_loop3A_223, %parallel_loop3A_234 : vector<16xf32>
        %parallel_loop3A_236 = arith.constant 3.000000e-03 : f32
        %parallel_loop3A_237 = vector.broadcast %parallel_loop3A_236 : f32 to vector<16xf32>
        %parallel_loop3A_238 = arith.select %parallel_loop3A_235, %parallel_loop3A_237, %parallel_loop3A_232 : vector<16xi1>, vector<16xf32>
        %parallel_loop3A_239 = arith.constant 0.899999976 : f32
        %parallel_loop3A_240 = vector.broadcast %parallel_loop3A_239 : f32 to vector<16xf32>
        %parallel_loop3A_241 = arith.cmpf ogt, %parallel_loop3A_223, %parallel_loop3A_240 : vector<16xf32>
        %parallel_loop3A_242 = arith.constant 3.000000e-06 : f32
        %parallel_loop3A_243 = vector.broadcast %parallel_loop3A_242 : f32 to vector<16xf32>
        %parallel_loop3A_244 = arith.select %parallel_loop3A_241, %parallel_loop3A_243, %parallel_loop3A_238 : vector<16xi1>, vector<16xf32>
        %parallel_loop3A_245 = arith.constant 1 : i32
        %parallel_loop3A_246 = arith.constant 0 : i32
        %parallel_loop3A_247 = arith.constant 0 : i32
        %parallel_loop3A_248 = tpu.memref_slice %arg7[%rem3A_136, %parallel_loop3A_246, %parallel_loop3A_247] : memref<2x8x2048xf32, #tpu.memory_space<vmem>> -> memref<1x8x2048xf32, #tpu.memory_space<vmem>>
        %parallel_loop3A_249 = tpu.memref_squeeze %parallel_loop3A_248 : memref<1x8x2048xf32, #tpu.memory_space<vmem>> -> memref<8x2048xf32, #tpu.memory_space<vmem>>
        %parallel_loop3A_250 = arith.index_cast %parallel_loop3A_245 : i32 to index
        %parallel_loop3A_251 = arith.index_cast %parallel_loop3A_214 : i32 to index
        %parallel_loop3A_252 = tpu.vector_load %parallel_loop3A_249[%parallel_loop3A_250, %parallel_loop3A_251] {strides = array<i32>} : memref<8x2048xf32, #tpu.memory_space<vmem>>, vector<1x16xf32>,
        %parallel_loop3A_253 = vector.shape_cast %parallel_loop3A_252 : vector<1x16xf32> to vector<16xf32>
        %parallel_loop3A_254 = vector.shape_cast %parallel_loop3A_244 : vector<16xf32> to vector<1x16xf32>
        tpu.vector_store %parallel_loop3A_249[%parallel_loop3A_250, %parallel_loop3A_251], %parallel_loop3A_254 {strides = array<i32>} : memref<8x2048xf32, #tpu.memory_space<vmem>>, vector<1x16xf32>,
      } {sc.loop_unroll_factor = 8 : i64, sc.parallel_access}
      %parallel_loop3A_177 = arith.constant 0 : i32
      %parallel_loop3A_178 = arith.constant 2048 : i32
      %parallel_loop3A_179 = arith.constant 16 : i32
      scf.for %parallel_loop3A_214 = %parallel_loop3A_177 to %parallel_loop3A_178 step %parallel_loop3A_179  : i32 {
        %parallel_loop3A_215 = arith.constant 2 : i32
        %parallel_loop3A_216 = arith.constant 0 : i32
        %parallel_loop3A_217 = arith.constant 0 : i32
        %parallel_loop3A_218 = tpu.memref_slice %arg6[%rem3A_136, %parallel_loop3A_216, %parallel_loop3A_217] : memref<2x8x2048xf32, #tpu.memory_space<vmem>> -> memref<1x8x2048xf32, #tpu.memory_space<vmem>>
        %parallel_loop3A_219 = tpu.memref_squeeze %parallel_loop3A_218 : memref<1x8x2048xf32, #tpu.memory_space<vmem>> -> memref<8x2048xf32, #tpu.memory_space<vmem>>
        %parallel_loop3A_220 = arith.index_cast %parallel_loop3A_215 : i32 to index
        %parallel_loop3A_221 = arith.index_cast %parallel_loop3A_214 : i32 to index
        %parallel_loop3A_222 = tpu.vector_load %parallel_loop3A_219[%parallel_loop3A_220, %parallel_loop3A_221] {strides = array<i32>} : memref<8x2048xf32, #tpu.memory_space<vmem>>, vector<1x16xf32>,
        %parallel_loop3A_223 = vector.shape_cast %parallel_loop3A_222 : vector<1x16xf32> to vector<16xf32>
        %parallel_loop3A_224 = arith.constant 2 : i32
        %parallel_loop3A_225 = arith.constant 0 : i32
        %parallel_loop3A_226 = arith.constant 0 : i32
        %parallel_loop3A_227 = tpu.memref_slice %arg5[%rem3A_136, %parallel_loop3A_225, %parallel_loop3A_226] : memref<2x8x2048xf32, #tpu.memory_space<vmem>> -> memref<1x8x2048xf32, #tpu.memory_space<vmem>>
        %parallel_loop3A_228 = tpu.memref_squeeze %parallel_loop3A_227 : memref<1x8x2048xf32, #tpu.memory_space<vmem>> -> memref<8x2048xf32, #tpu.memory_space<vmem>>
        %parallel_loop3A_229 = arith.index_cast %parallel_loop3A_224 : i32 to index
        %parallel_loop3A_230 = arith.index_cast %parallel_loop3A_214 : i32 to index
        %parallel_loop3A_231 = tpu.vector_load %parallel_loop3A_228[%parallel_loop3A_229, %parallel_loop3A_230] {strides = array<i32>} : memref<8x2048xf32, #tpu.memory_space<vmem>>, vector<1x16xf32>,
        %parallel_loop3A_232 = vector.shape_cast %parallel_loop3A_231 : vector<1x16xf32> to vector<16xf32>
        %parallel_loop3A_233 = arith.constant 1.000000e-01 : f32
        %parallel_loop3A_234 = vector.broadcast %parallel_loop3A_233 : f32 to vector<16xf32>
        %parallel_loop3A_235 = arith.cmpf ole, %parallel_loop3A_223, %parallel_loop3A_234 : vector<16xf32>
        %parallel_loop3A_236 = arith.constant 3.000000e-03 : f32
        %parallel_loop3A_237 = vector.broadcast %parallel_loop3A_236 : f32 to vector<16xf32>
        %parallel_loop3A_238 = arith.select %parallel_loop3A_235, %parallel_loop3A_237, %parallel_loop3A_232 : vector<16xi1>, vector<16xf32>
        %parallel_loop3A_239 = arith.constant 0.899999976 : f32
        %parallel_loop3A_240 = vector.broadcast %parallel_loop3A_239 : f32 to vector<16xf32>
        %parallel_loop3A_241 = arith.cmpf ogt, %parallel_loop3A_223, %parallel_loop3A_240 : vector<16xf32>
        %parallel_loop3A_242 = arith.constant 3.000000e-06 : f32
        %parallel_loop3A_243 = vector.broadcast %parallel_loop3A_242 : f32 to vector<16xf32>
        %parallel_loop3A_244 = arith.select %parallel_loop3A_241, %parallel_loop3A_243, %parallel_loop3A_238 : vector<16xi1>, vector<16xf32>
        %parallel_loop3A_245 = arith.constant 2 : i32
        %parallel_loop3A_246 = arith.constant 0 : i32
        %parallel_loop3A_247 = arith.constant 0 : i32
        %parallel_loop3A_248 = tpu.memref_slice %arg7[%rem3A_136, %parallel_loop3A_246, %parallel_loop3A_247] : memref<2x8x2048xf32, #tpu.memory_space<vmem>> -> memref<1x8x2048xf32, #tpu.memory_space<vmem>>
        %parallel_loop3A_249 = tpu.memref_squeeze %parallel_loop3A_248 : memref<1x8x2048xf32, #tpu.memory_space<vmem>> -> memref<8x2048xf32, #tpu.memory_space<vmem>>
        %parallel_loop3A_250 = arith.index_cast %parallel_loop3A_245 : i32 to index
        %parallel_loop3A_251 = arith.index_cast %parallel_loop3A_214 : i32 to index
        %parallel_loop3A_252 = tpu.vector_load %parallel_loop3A_249[%parallel_loop3A_250, %parallel_loop3A_251] {strides = array<i32>} : memref<8x2048xf32, #tpu.memory_space<vmem>>, vector<1x16xf32>,
        %parallel_loop3A_253 = vector.shape_cast %parallel_loop3A_252 : vector<1x16xf32> to vector<16xf32>
        %parallel_loop3A_254 = vector.shape_cast %parallel_loop3A_244 : vector<16xf32> to vector<1x16xf32>
        tpu.vector_store %parallel_loop3A_249[%parallel_loop3A_250, %parallel_loop3A_251], %parallel_loop3A_254 {strides = array<i32>} : memref<8x2048xf32, #tpu.memory_space<vmem>>, vector<1x16xf32>,
      } {sc.loop_unroll_factor = 8 : i64, sc.parallel_access}
      %parallel_loop3A_180 = arith.constant 0 : i32
      %parallel_loop3A_181 = arith.constant 2048 : i32
      %parallel_loop3A_182 = arith.constant 16 : i32
      scf.for %parallel_loop3A_214 = %parallel_loop3A_180 to %parallel_loop3A_181 step %parallel_loop3A_182  : i32 {
        %parallel_loop3A_215 = arith.constant 3 : i32
        %parallel_loop3A_216 = arith.constant 0 : i32
        %parallel_loop3A_217 = arith.constant 0 : i32
        %parallel_loop3A_218 = tpu.memref_slice %arg6[%rem3A_136, %parallel_loop3A_216, %parallel_loop3A_217] : memref<2x8x2048xf32, #tpu.memory_space<vmem>> -> memref<1x8x2048xf32, #tpu.memory_space<vmem>>
        %parallel_loop3A_219 = tpu.memref_squeeze %parallel_loop3A_218 : memref<1x8x2048xf32, #tpu.memory_space<vmem>> -> memref<8x2048xf32, #tpu.memory_space<vmem>>
        %parallel_loop3A_220 = arith.index_cast %parallel_loop3A_215 : i32 to index
        %parallel_loop3A_221 = arith.index_cast %parallel_loop3A_214 : i32 to index
        %parallel_loop3A_222 = tpu.vector_load %parallel_loop3A_219[%parallel_loop3A_220, %parallel_loop3A_221] {strides = array<i32>} : memref<8x2048xf32, #tpu.memory_space<vmem>>, vector<1x16xf32>,
        %parallel_loop3A_223 = vector.shape_cast %parallel_loop3A_222 : vector<1x16xf32> to vector<16xf32>
        %parallel_loop3A_224 = arith.constant 3 : i32
        %parallel_loop3A_225 = arith.constant 0 : i32
        %parallel_loop3A_226 = arith.constant 0 : i32
        %parallel_loop3A_227 = tpu.memref_slice %arg5[%rem3A_136, %parallel_loop3A_225, %parallel_loop3A_226] : memref<2x8x2048xf32, #tpu.memory_space<vmem>> -> memref<1x8x2048xf32, #tpu.memory_space<vmem>>
        %parallel_loop3A_228 = tpu.memref_squeeze %parallel_loop3A_227 : memref<1x8x2048xf32, #tpu.memory_space<vmem>> -> memref<8x2048xf32, #tpu.memory_space<vmem>>
        %parallel_loop3A_229 = arith.index_cast %parallel_loop3A_224 : i32 to index
        %parallel_loop3A_230 = arith.index_cast %parallel_loop3A_214 : i32 to index
        %parallel_loop3A_231 = tpu.vector_load %parallel_loop3A_228[%parallel_loop3A_229, %parallel_loop3A_230] {strides = array<i32>} : memref<8x2048xf32, #tpu.memory_space<vmem>>, vector<1x16xf32>,
        %parallel_loop3A_232 = vector.shape_cast %parallel_loop3A_231 : vector<1x16xf32> to vector<16xf32>
        %parallel_loop3A_233 = arith.constant 1.000000e-01 : f32
        %parallel_loop3A_234 = vector.broadcast %parallel_loop3A_233 : f32 to vector<16xf32>
        %parallel_loop3A_235 = arith.cmpf ole, %parallel_loop3A_223, %parallel_loop3A_234 : vector<16xf32>
        %parallel_loop3A_236 = arith.constant 3.000000e-03 : f32
        %parallel_loop3A_237 = vector.broadcast %parallel_loop3A_236 : f32 to vector<16xf32>
        %parallel_loop3A_238 = arith.select %parallel_loop3A_235, %parallel_loop3A_237, %parallel_loop3A_232 : vector<16xi1>, vector<16xf32>
        %parallel_loop3A_239 = arith.constant 0.899999976 : f32
        %parallel_loop3A_240 = vector.broadcast %parallel_loop3A_239 : f32 to vector<16xf32>
        %parallel_loop3A_241 = arith.cmpf ogt, %parallel_loop3A_223, %parallel_loop3A_240 : vector<16xf32>
        %parallel_loop3A_242 = arith.constant 3.000000e-06 : f32
        %parallel_loop3A_243 = vector.broadcast %parallel_loop3A_242 : f32 to vector<16xf32>
        %parallel_loop3A_244 = arith.select %parallel_loop3A_241, %parallel_loop3A_243, %parallel_loop3A_238 : vector<16xi1>, vector<16xf32>
        %parallel_loop3A_245 = arith.constant 3 : i32
        %parallel_loop3A_246 = arith.constant 0 : i32
        %parallel_loop3A_247 = arith.constant 0 : i32
        %parallel_loop3A_248 = tpu.memref_slice %arg7[%rem3A_136, %parallel_loop3A_246, %parallel_loop3A_247] : memref<2x8x2048xf32, #tpu.memory_space<vmem>> -> memref<1x8x2048xf32, #tpu.memory_space<vmem>>
        %parallel_loop3A_249 = tpu.memref_squeeze %parallel_loop3A_248 : memref<1x8x2048xf32, #tpu.memory_space<vmem>> -> memref<8x2048xf32, #tpu.memory_space<vmem>>
        %parallel_loop3A_250 = arith.index_cast %parallel_loop3A_245 : i32 to index
        %parallel_loop3A_251 = arith.index_cast %parallel_loop3A_214 : i32 to index
        %parallel_loop3A_252 = tpu.vector_load %parallel_loop3A_249[%parallel_loop3A_250, %parallel_loop3A_251] {strides = array<i32>} : memref<8x2048xf32, #tpu.memory_space<vmem>>, vector<1x16xf32>,
        %parallel_loop3A_253 = vector.shape_cast %parallel_loop3A_252 : vector<1x16xf32> to vector<16xf32>
        %parallel_loop3A_254 = vector.shape_cast %parallel_loop3A_244 : vector<16xf32> to vector<1x16xf32>
        tpu.vector_store %parallel_loop3A_249[%parallel_loop3A_250, %parallel_loop3A_251], %parallel_loop3A_254 {strides = array<i32>} : memref<8x2048xf32, #tpu.memory_space<vmem>>, vector<1x16xf32>,
      } {sc.loop_unroll_factor = 8 : i64, sc.parallel_access}
      %parallel_loop3A_183 = arith.constant 0 : i32
      %parallel_loop3A_184 = arith.constant 2048 : i32
      %parallel_loop3A_185 = arith.constant 16 : i32
      scf.for %parallel_loop3A_214 = %parallel_loop3A_183 to %parallel_loop3A_184 step %parallel_loop3A_185  : i32 {
        %parallel_loop3A_215 = arith.constant 4 : i32
        %parallel_loop3A_216 = arith.constant 0 : i32
        %parallel_loop3A_217 = arith.constant 0 : i32
        %parallel_loop3A_218 = tpu.memref_slice %arg6[%rem3A_136, %parallel_loop3A_216, %parallel_loop3A_217] : memref<2x8x2048xf32, #tpu.memory_space<vmem>> -> memref<1x8x2048xf32, #tpu.memory_space<vmem>>
        %parallel_loop3A_219 = tpu.memref_squeeze %parallel_loop3A_218 : memref<1x8x2048xf32, #tpu.memory_space<vmem>> -> memref<8x2048xf32, #tpu.memory_space<vmem>>
        %parallel_loop3A_220 = arith.index_cast %parallel_loop3A_215 : i32 to index
        %parallel_loop3A_221 = arith.index_cast %parallel_loop3A_214 : i32 to index
        %parallel_loop3A_222 = tpu.vector_load %parallel_loop3A_219[%parallel_loop3A_220, %parallel_loop3A_221] {strides = array<i32>} : memref<8x2048xf32, #tpu.memory_space<vmem>>, vector<1x16xf32>,
        %parallel_loop3A_223 = vector.shape_cast %parallel_loop3A_222 : vector<1x16xf32> to vector<16xf32>
        %parallel_loop3A_224 = arith.constant 4 : i32
        %parallel_loop3A_225 = arith.constant 0 : i32
        %parallel_loop3A_226 = arith.constant 0 : i32
        %parallel_loop3A_227 = tpu.memref_slice %arg5[%rem3A_136, %parallel_loop3A_225, %parallel_loop3A_226] : memref<2x8x2048xf32, #tpu.memory_space<vmem>> -> memref<1x8x2048xf32, #tpu.memory_space<vmem>>
        %parallel_loop3A_228 = tpu.memref_squeeze %parallel_loop3A_227 : memref<1x8x2048xf32, #tpu.memory_space<vmem>> -> memref<8x2048xf32, #tpu.memory_space<vmem>>
        %parallel_loop3A_229 = arith.index_cast %parallel_loop3A_224 : i32 to index
        %parallel_loop3A_230 = arith.index_cast %parallel_loop3A_214 : i32 to index
        %parallel_loop3A_231 = tpu.vector_load %parallel_loop3A_228[%parallel_loop3A_229, %parallel_loop3A_230] {strides = array<i32>} : memref<8x2048xf32, #tpu.memory_space<vmem>>, vector<1x16xf32>,
        %parallel_loop3A_232 = vector.shape_cast %parallel_loop3A_231 : vector<1x16xf32> to vector<16xf32>
        %parallel_loop3A_233 = arith.constant 1.000000e-01 : f32
        %parallel_loop3A_234 = vector.broadcast %parallel_loop3A_233 : f32 to vector<16xf32>
        %parallel_loop3A_235 = arith.cmpf ole, %parallel_loop3A_223, %parallel_loop3A_234 : vector<16xf32>
        %parallel_loop3A_236 = arith.constant 3.000000e-03 : f32
        %parallel_loop3A_237 = vector.broadcast %parallel_loop3A_236 : f32 to vector<16xf32>
        %parallel_loop3A_238 = arith.select %parallel_loop3A_235, %parallel_loop3A_237, %parallel_loop3A_232 : vector<16xi1>, vector<16xf32>
        %parallel_loop3A_239 = arith.constant 0.899999976 : f32
        %parallel_loop3A_240 = vector.broadcast %parallel_loop3A_239 : f32 to vector<16xf32>
        %parallel_loop3A_241 = arith.cmpf ogt, %parallel_loop3A_223, %parallel_loop3A_240 : vector<16xf32>
        %parallel_loop3A_242 = arith.constant 3.000000e-06 : f32
        %parallel_loop3A_243 = vector.broadcast %parallel_loop3A_242 : f32 to vector<16xf32>
        %parallel_loop3A_244 = arith.select %parallel_loop3A_241, %parallel_loop3A_243, %parallel_loop3A_238 : vector<16xi1>, vector<16xf32>
        %parallel_loop3A_245 = arith.constant 4 : i32
        %parallel_loop3A_246 = arith.constant 0 : i32
        %parallel_loop3A_247 = arith.constant 0 : i32
        %parallel_loop3A_248 = tpu.memref_slice %arg7[%rem3A_136, %parallel_loop3A_246, %parallel_loop3A_247] : memref<2x8x2048xf32, #tpu.memory_space<vmem>> -> memref<1x8x2048xf32, #tpu.memory_space<vmem>>
        %parallel_loop3A_249 = tpu.memref_squeeze %parallel_loop3A_248 : memref<1x8x2048xf32, #tpu.memory_space<vmem>> -> memref<8x2048xf32, #tpu.memory_space<vmem>>
        %parallel_loop3A_250 = arith.index_cast %parallel_loop3A_245 : i32 to index
        %parallel_loop3A_251 = arith.index_cast %parallel_loop3A_214 : i32 to index
        %parallel_loop3A_252 = tpu.vector_load %parallel_loop3A_249[%parallel_loop3A_250, %parallel_loop3A_251] {strides = array<i32>} : memref<8x2048xf32, #tpu.memory_space<vmem>>, vector<1x16xf32>,
        %parallel_loop3A_253 = vector.shape_cast %parallel_loop3A_252 : vector<1x16xf32> to vector<16xf32>
        %parallel_loop3A_254 = vector.shape_cast %parallel_loop3A_244 : vector<16xf32> to vector<1x16xf32>
        tpu.vector_store %parallel_loop3A_249[%parallel_loop3A_250, %parallel_loop3A_251], %parallel_loop3A_254 {strides = array<i32>} : memref<8x2048xf32, #tpu.memory_space<vmem>>, vector<1x16xf32>,
      } {sc.loop_unroll_factor = 8 : i64, sc.parallel_access}
      %parallel_loop3A_186 = arith.constant 0 : i32
      %parallel_loop3A_187 = arith.constant 2048 : i32
      %parallel_loop3A_188 = arith.constant 16 : i32
      scf.for %parallel_loop3A_214 = %parallel_loop3A_186 to %parallel_loop3A_187 step %parallel_loop3A_188  : i32 {
        %parallel_loop3A_215 = arith.constant 5 : i32
        %parallel_loop3A_216 = arith.constant 0 : i32
        %parallel_loop3A_217 = arith.constant 0 : i32
        %parallel_loop3A_218 = tpu.memref_slice %arg6[%rem3A_136, %parallel_loop3A_216, %parallel_loop3A_217] : memref<2x8x2048xf32, #tpu.memory_space<vmem>> -> memref<1x8x2048xf32, #tpu.memory_space<vmem>>
        %parallel_loop3A_219 = tpu.memref_squeeze %parallel_loop3A_218 : memref<1x8x2048xf32, #tpu.memory_space<vmem>> -> memref<8x2048xf32, #tpu.memory_space<vmem>>
        %parallel_loop3A_220 = arith.index_cast %parallel_loop3A_215 : i32 to index
        %parallel_loop3A_221 = arith.index_cast %parallel_loop3A_214 : i32 to index
        %parallel_loop3A_222 = tpu.vector_load %parallel_loop3A_219[%parallel_loop3A_220, %parallel_loop3A_221] {strides = array<i32>} : memref<8x2048xf32, #tpu.memory_space<vmem>>, vector<1x16xf32>,
        %parallel_loop3A_223 = vector.shape_cast %parallel_loop3A_222 : vector<1x16xf32> to vector<16xf32>
        %parallel_loop3A_224 = arith.constant 5 : i32
        %parallel_loop3A_225 = arith.constant 0 : i32
        %parallel_loop3A_226 = arith.constant 0 : i32
        %parallel_loop3A_227 = tpu.memref_slice %arg5[%rem3A_136, %parallel_loop3A_225, %parallel_loop3A_226] : memref<2x8x2048xf32, #tpu.memory_space<vmem>> -> memref<1x8x2048xf32, #tpu.memory_space<vmem>>
        %parallel_loop3A_228 = tpu.memref_squeeze %parallel_loop3A_227 : memref<1x8x2048xf32, #tpu.memory_space<vmem>> -> memref<8x2048xf32, #tpu.memory_space<vmem>>
        %parallel_loop3A_229 = arith.index_cast %parallel_loop3A_224 : i32 to index
        %parallel_loop3A_230 = arith.index_cast %parallel_loop3A_214 : i32 to index
        %parallel_loop3A_231 = tpu.vector_load %parallel_loop3A_228[%parallel_loop3A_229, %parallel_loop3A_230] {strides = array<i32>} : memref<8x2048xf32, #tpu.memory_space<vmem>>, vector<1x16xf32>,
        %parallel_loop3A_232 = vector.shape_cast %parallel_loop3A_231 : vector<1x16xf32> to vector<16xf32>
        %parallel_loop3A_233 = arith.constant 1.000000e-01 : f32
        %parallel_loop3A_234 = vector.broadcast %parallel_loop3A_233 : f32 to vector<16xf32>
        %parallel_loop3A_235 = arith.cmpf ole, %parallel_loop3A_223, %parallel_loop3A_234 : vector<16xf32>
        %parallel_loop3A_236 = arith.constant 3.000000e-03 : f32
        %parallel_loop3A_237 = vector.broadcast %parallel_loop3A_236 : f32 to vector<16xf32>
        %parallel_loop3A_238 = arith.select %parallel_loop3A_235, %parallel_loop3A_237, %parallel_loop3A_232 : vector<16xi1>, vector<16xf32>
        %parallel_loop3A_239 = arith.constant 0.899999976 : f32
        %parallel_loop3A_240 = vector.broadcast %parallel_loop3A_239 : f32 to vector<16xf32>
        %parallel_loop3A_241 = arith.cmpf ogt, %parallel_loop3A_223, %parallel_loop3A_240 : vector<16xf32>
        %parallel_loop3A_242 = arith.constant 3.000000e-06 : f32
        %parallel_loop3A_243 = vector.broadcast %parallel_loop3A_242 : f32 to vector<16xf32>
        %parallel_loop3A_244 = arith.select %parallel_loop3A_241, %parallel_loop3A_243, %parallel_loop3A_238 : vector<16xi1>, vector<16xf32>
        %parallel_loop3A_245 = arith.constant 5 : i32
        %parallel_loop3A_246 = arith.constant 0 : i32
        %parallel_loop3A_247 = arith.constant 0 : i32
        %parallel_loop3A_248 = tpu.memref_slice %arg7[%rem3A_136, %parallel_loop3A_246, %parallel_loop3A_247] : memref<2x8x2048xf32, #tpu.memory_space<vmem>> -> memref<1x8x2048xf32, #tpu.memory_space<vmem>>
        %parallel_loop3A_249 = tpu.memref_squeeze %parallel_loop3A_248 : memref<1x8x2048xf32, #tpu.memory_space<vmem>> -> memref<8x2048xf32, #tpu.memory_space<vmem>>
        %parallel_loop3A_250 = arith.index_cast %parallel_loop3A_245 : i32 to index
        %parallel_loop3A_251 = arith.index_cast %parallel_loop3A_214 : i32 to index
        %parallel_loop3A_252 = tpu.vector_load %parallel_loop3A_249[%parallel_loop3A_250, %parallel_loop3A_251] {strides = array<i32>} : memref<8x2048xf32, #tpu.memory_space<vmem>>, vector<1x16xf32>,
        %parallel_loop3A_253 = vector.shape_cast %parallel_loop3A_252 : vector<1x16xf32> to vector<16xf32>
        %parallel_loop3A_254 = vector.shape_cast %parallel_loop3A_244 : vector<16xf32> to vector<1x16xf32>
        tpu.vector_store %parallel_loop3A_249[%parallel_loop3A_250, %parallel_loop3A_251], %parallel_loop3A_254 {strides = array<i32>} : memref<8x2048xf32, #tpu.memory_space<vmem>>, vector<1x16xf32>,
      } {sc.loop_unroll_factor = 8 : i64, sc.parallel_access}
      %parallel_loop3A_189 = arith.constant 0 : i32
      %parallel_loop3A_190 = arith.constant 2048 : i32
      %parallel_loop3A_191 = arith.constant 16 : i32
      scf.for %parallel_loop3A_214 = %parallel_loop3A_189 to %parallel_loop3A_190 step %parallel_loop3A_191  : i32 {
        %parallel_loop3A_215 = arith.constant 6 : i32
        %parallel_loop3A_216 = arith.constant 0 : i32
        %parallel_loop3A_217 = arith.constant 0 : i32
        %parallel_loop3A_218 = tpu.memref_slice %arg6[%rem3A_136, %parallel_loop3A_216, %parallel_loop3A_217] : memref<2x8x2048xf32, #tpu.memory_space<vmem>> -> memref<1x8x2048xf32, #tpu.memory_space<vmem>>
        %parallel_loop3A_219 = tpu.memref_squeeze %parallel_loop3A_218 : memref<1x8x2048xf32, #tpu.memory_space<vmem>> -> memref<8x2048xf32, #tpu.memory_space<vmem>>
        %parallel_loop3A_220 = arith.index_cast %parallel_loop3A_215 : i32 to index
        %parallel_loop3A_221 = arith.index_cast %parallel_loop3A_214 : i32 to index
        %parallel_loop3A_222 = tpu.vector_load %parallel_loop3A_219[%parallel_loop3A_220, %parallel_loop3A_221] {strides = array<i32>} : memref<8x2048xf32, #tpu.memory_space<vmem>>, vector<1x16xf32>,
        %parallel_loop3A_223 = vector.shape_cast %parallel_loop3A_222 : vector<1x16xf32> to vector<16xf32>
        %parallel_loop3A_224 = arith.constant 6 : i32
        %parallel_loop3A_225 = arith.constant 0 : i32
        %parallel_loop3A_226 = arith.constant 0 : i32
        %parallel_loop3A_227 = tpu.memref_slice %arg5[%rem3A_136, %parallel_loop3A_225, %parallel_loop3A_226] : memref<2x8x2048xf32, #tpu.memory_space<vmem>> -> memref<1x8x2048xf32, #tpu.memory_space<vmem>>
        %parallel_loop3A_228 = tpu.memref_squeeze %parallel_loop3A_227 : memref<1x8x2048xf32, #tpu.memory_space<vmem>> -> memref<8x2048xf32, #tpu.memory_space<vmem>>
        %parallel_loop3A_229 = arith.index_cast %parallel_loop3A_224 : i32 to index
        %parallel_loop3A_230 = arith.index_cast %parallel_loop3A_214 : i32 to index
        %parallel_loop3A_231 = tpu.vector_load %parallel_loop3A_228[%parallel_loop3A_229, %parallel_loop3A_230] {strides = array<i32>} : memref<8x2048xf32, #tpu.memory_space<vmem>>, vector<1x16xf32>,
        %parallel_loop3A_232 = vector.shape_cast %parallel_loop3A_231 : vector<1x16xf32> to vector<16xf32>
        %parallel_loop3A_233 = arith.constant 1.000000e-01 : f32
        %parallel_loop3A_234 = vector.broadcast %parallel_loop3A_233 : f32 to vector<16xf32>
        %parallel_loop3A_235 = arith.cmpf ole, %parallel_loop3A_223, %parallel_loop3A_234 : vector<16xf32>
        %parallel_loop3A_236 = arith.constant 3.000000e-03 : f32
        %parallel_loop3A_237 = vector.broadcast %parallel_loop3A_236 : f32 to vector<16xf32>
        %parallel_loop3A_238 = arith.select %parallel_loop3A_235, %parallel_loop3A_237, %parallel_loop3A_232 : vector<16xi1>, vector<16xf32>
        %parallel_loop3A_239 = arith.constant 0.899999976 : f32
        %parallel_loop3A_240 = vector.broadcast %parallel_loop3A_239 : f32 to vector<16xf32>
        %parallel_loop3A_241 = arith.cmpf ogt, %parallel_loop3A_223, %parallel_loop3A_240 : vector<16xf32>
        %parallel_loop3A_242 = arith.constant 3.000000e-06 : f32
        %parallel_loop3A_243 = vector.broadcast %parallel_loop3A_242 : f32 to vector<16xf32>
        %parallel_loop3A_244 = arith.select %parallel_loop3A_241, %parallel_loop3A_243, %parallel_loop3A_238 : vector<16xi1>, vector<16xf32>
        %parallel_loop3A_245 = arith.constant 6 : i32
        %parallel_loop3A_246 = arith.constant 0 : i32
        %parallel_loop3A_247 = arith.constant 0 : i32
        %parallel_loop3A_248 = tpu.memref_slice %arg7[%rem3A_136, %parallel_loop3A_246, %parallel_loop3A_247] : memref<2x8x2048xf32, #tpu.memory_space<vmem>> -> memref<1x8x2048xf32, #tpu.memory_space<vmem>>
        %parallel_loop3A_249 = tpu.memref_squeeze %parallel_loop3A_248 : memref<1x8x2048xf32, #tpu.memory_space<vmem>> -> memref<8x2048xf32, #tpu.memory_space<vmem>>
        %parallel_loop3A_250 = arith.index_cast %parallel_loop3A_245 : i32 to index
        %parallel_loop3A_251 = arith.index_cast %parallel_loop3A_214 : i32 to index
        %parallel_loop3A_252 = tpu.vector_load %parallel_loop3A_249[%parallel_loop3A_250, %parallel_loop3A_251] {strides = array<i32>} : memref<8x2048xf32, #tpu.memory_space<vmem>>, vector<1x16xf32>,
        %parallel_loop3A_253 = vector.shape_cast %parallel_loop3A_252 : vector<1x16xf32> to vector<16xf32>
        %parallel_loop3A_254 = vector.shape_cast %parallel_loop3A_244 : vector<16xf32> to vector<1x16xf32>
        tpu.vector_store %parallel_loop3A_249[%parallel_loop3A_250, %parallel_loop3A_251], %parallel_loop3A_254 {strides = array<i32>} : memref<8x2048xf32, #tpu.memory_space<vmem>>, vector<1x16xf32>,
      } {sc.loop_unroll_factor = 8 : i64, sc.parallel_access}
      %parallel_loop3A_192 = arith.constant 0 : i32
      %parallel_loop3A_193 = arith.constant 2048 : i32
      %parallel_loop3A_194 = arith.constant 16 : i32
      scf.for %parallel_loop3A_214 = %parallel_loop3A_192 to %parallel_loop3A_193 step %parallel_loop3A_194  : i32 {
        %parallel_loop3A_215 = arith.constant 7 : i32
        %parallel_loop3A_216 = arith.constant 0 : i32
        %parallel_loop3A_217 = arith.constant 0 : i32
        %parallel_loop3A_218 = tpu.memref_slice %arg6[%rem3A_136, %parallel_loop3A_216, %parallel_loop3A_217] : memref<2x8x2048xf32, #tpu.memory_space<vmem>> -> memref<1x8x2048xf32, #tpu.memory_space<vmem>>
        %parallel_loop3A_219 = tpu.memref_squeeze %parallel_loop3A_218 : memref<1x8x2048xf32, #tpu.memory_space<vmem>> -> memref<8x2048xf32, #tpu.memory_space<vmem>>
        %parallel_loop3A_220 = arith.index_cast %parallel_loop3A_215 : i32 to index
        %parallel_loop3A_221 = arith.index_cast %parallel_loop3A_214 : i32 to index
        %parallel_loop3A_222 = tpu.vector_load %parallel_loop3A_219[%parallel_loop3A_220, %parallel_loop3A_221] {strides = array<i32>} : memref<8x2048xf32, #tpu.memory_space<vmem>>, vector<1x16xf32>,
        %parallel_loop3A_223 = vector.shape_cast %parallel_loop3A_222 : vector<1x16xf32> to vector<16xf32>
        %parallel_loop3A_224 = arith.constant 7 : i32
        %parallel_loop3A_225 = arith.constant 0 : i32
        %parallel_loop3A_226 = arith.constant 0 : i32
        %parallel_loop3A_227 = tpu.memref_slice %arg5[%rem3A_136, %parallel_loop3A_225, %parallel_loop3A_226] : memref<2x8x2048xf32, #tpu.memory_space<vmem>> -> memref<1x8x2048xf32, #tpu.memory_space<vmem>>
        %parallel_loop3A_228 = tpu.memref_squeeze %parallel_loop3A_227 : memref<1x8x2048xf32, #tpu.memory_space<vmem>> -> memref<8x2048xf32, #tpu.memory_space<vmem>>
        %parallel_loop3A_229 = arith.index_cast %parallel_loop3A_224 : i32 to index
        %parallel_loop3A_230 = arith.index_cast %parallel_loop3A_214 : i32 to index
        %parallel_loop3A_231 = tpu.vector_load %parallel_loop3A_228[%parallel_loop3A_229, %parallel_loop3A_230] {strides = array<i32>} : memref<8x2048xf32, #tpu.memory_space<vmem>>, vector<1x16xf32>,
        %parallel_loop3A_232 = vector.shape_cast %parallel_loop3A_231 : vector<1x16xf32> to vector<16xf32>
        %parallel_loop3A_233 = arith.constant 1.000000e-01 : f32
        %parallel_loop3A_234 = vector.broadcast %parallel_loop3A_233 : f32 to vector<16xf32>
        %parallel_loop3A_235 = arith.cmpf ole, %parallel_loop3A_223, %parallel_loop3A_234 : vector<16xf32>
        %parallel_loop3A_236 = arith.constant 3.000000e-03 : f32
        %parallel_loop3A_237 = vector.broadcast %parallel_loop3A_236 : f32 to vector<16xf32>
        %parallel_loop3A_238 = arith.select %parallel_loop3A_235, %parallel_loop3A_237, %parallel_loop3A_232 : vector<16xi1>, vector<16xf32>
        %parallel_loop3A_239 = arith.constant 0.899999976 : f32
        %parallel_loop3A_240 = vector.broadcast %parallel_loop3A_239 : f32 to vector<16xf32>
        %parallel_loop3A_241 = arith.cmpf ogt, %parallel_loop3A_223, %parallel_loop3A_240 : vector<16xf32>
        %parallel_loop3A_242 = arith.constant 3.000000e-06 : f32
        %parallel_loop3A_243 = vector.broadcast %parallel_loop3A_242 : f32 to vector<16xf32>
        %parallel_loop3A_244 = arith.select %parallel_loop3A_241, %parallel_loop3A_243, %parallel_loop3A_238 : vector<16xi1>, vector<16xf32>
        %parallel_loop3A_245 = arith.constant 7 : i32
        %parallel_loop3A_246 = arith.constant 0 : i32
        %parallel_loop3A_247 = arith.constant 0 : i32
        %parallel_loop3A_248 = tpu.memref_slice %arg7[%rem3A_136, %parallel_loop3A_246, %parallel_loop3A_247] : memref<2x8x2048xf32, #tpu.memory_space<vmem>> -> memref<1x8x2048xf32, #tpu.memory_space<vmem>>
        %parallel_loop3A_249 = tpu.memref_squeeze %parallel_loop3A_248 : memref<1x8x2048xf32, #tpu.memory_space<vmem>> -> memref<8x2048xf32, #tpu.memory_space<vmem>>
        %parallel_loop3A_250 = arith.index_cast %parallel_loop3A_245 : i32 to index
        %parallel_loop3A_251 = arith.index_cast %parallel_loop3A_214 : i32 to index
        %parallel_loop3A_252 = tpu.vector_load %parallel_loop3A_249[%parallel_loop3A_250, %parallel_loop3A_251] {strides = array<i32>} : memref<8x2048xf32, #tpu.memory_space<vmem>>, vector<1x16xf32>,
        %parallel_loop3A_253 = vector.shape_cast %parallel_loop3A_252 : vector<1x16xf32> to vector<16xf32>
        %parallel_loop3A_254 = vector.shape_cast %parallel_loop3A_244 : vector<16xf32> to vector<1x16xf32>
        tpu.vector_store %parallel_loop3A_249[%parallel_loop3A_250, %parallel_loop3A_251], %parallel_loop3A_254 {strides = array<i32>} : memref<8x2048xf32, #tpu.memory_space<vmem>>, vector<1x16xf32>,
      } {sc.loop_unroll_factor = 8 : i64, sc.parallel_access}
      %dma_start3A_195 = arith.constant 0 : i32
      %dma_start3A_196 = arith.constant 0 : i32
      %dma_start3A_197 = tpu.memref_slice %arg7[%rem3A_136, %dma_start3A_195, %dma_start3A_196] : memref<2x8x2048xf32, #tpu.memory_space<vmem>> -> memref<1x8x2048xf32, #tpu.memory_space<vmem>>
      %dma_start3A_198 = tpu.memref_squeeze %dma_start3A_197 : memref<1x8x2048xf32, #tpu.memory_space<vmem>> -> memref<8x2048xf32, #tpu.memory_space<vmem>>
      %dma_start3A_199 = tpu.memref_slice %arg4[%add3A_141, %mul3A_145] : memref<7424x4096xf32, #tpu.memory_space<hbm>> -> memref<8x2048xf32, #tpu.memory_space<hbm>>
      %dma_start3A_200 = tpu.memref_slice %arg10[%rem3A_136] : memref<2x!tpu.dma_semaphore, #tpu.memory_space<semaphore_mem>> -> memref<1x!tpu.dma_semaphore, #tpu.memory_space<semaphore_mem>>
      %dma_start3A_201 = tpu.memref_squeeze %dma_start3A_200 : memref<1x!tpu.dma_semaphore, #tpu.memory_space<semaphore_mem>> -> memref<!tpu.dma_semaphore, #tpu.memory_space<semaphore_mem>>
      %dma_start3A_202 = tpu.memref_slice %arg4[%add3A_141, %mul3A_145] : memref<7424x4096xf32, #tpu.memory_space<hbm>> -> memref<8x2048xf32, #tpu.memory_space<hbm>>
      %dma_start3A_203 = arith.constant 0 : i32
      %dma_start3A_204 = arith.constant 0 : i32
      %dma_start3A_205 = tpu.memref_slice %arg7[%rem3A_136, %dma_start3A_203, %dma_start3A_204] : memref<2x8x2048xf32, #tpu.memory_space<vmem>> -> memref<1x8x2048xf32, #tpu.memory_space<vmem>>
      %dma_start3A_206 = tpu.memref_squeeze %dma_start3A_205 : memref<1x8x2048xf32, #tpu.memory_space<vmem>> -> memref<8x2048xf32, #tpu.memory_space<vmem>>
      tpu.enqueue_dma source(%dma_start3A_206 : memref<8x2048xf32, #tpu.memory_space<vmem>>) target(%dma_start3A_202 : memref<8x2048xf32, #tpu.memory_space<hbm>>) target_semaphore(%dma_start3A_201 : memref<!tpu.dma_semaphore, #tpu.memory_space<semaphore_mem>>)
      %add3A_207 = arith.constant 2 : i32
      %add3A_208 = arith.addi %scan3A_133, %add3A_207 : i32
      %lt3A = arith.constant 58 : i32
      %lt3A_209 = arith.cmpi slt, %add3A_208, %lt3A : i32
      %convert_element_type3A_210 = arith.extui %lt3A_209 : i1 to i32
      %cond3A_211 = arith.constant 0 : i32
      %cond3A_212 = arith.cmpi ne, %convert_element_type3A_210, %cond3A_211 : i32
      scf.if %cond3A_212 {
        %add3A_214 = arith.constant 2 : i32
        %add3A_215 = arith.addi %scan3A_133, %add3A_214 : i32
        %div3A_216 = arith.constant 2 : i32
        %div3A_217 = arith.divsi %add3A_215, %div3A_216 : i32
        %mul3A_218 = arith.constant 8 : i32
        %mul3A_219 = arith.muli %div3A_217, %mul3A_218 : i32
        %add3A_220 = arith.addi %mul3A_2, %mul3A_219 : i32
        %rem3A_221 = arith.constant 2 : i32
        %rem3A_222 = arith.remsi %add3A_215, %rem3A_221 : i32
        %mul3A_223 = arith.constant 2048 : i32
        %mul3A_224 = arith.muli %rem3A_222, %mul3A_223 : i32
        %dma_start3A_225 = arith.constant 0 : i32
        %dma_start3A_226 = arith.constant 0 : i32
        %dma_start3A_227 = tpu.memref_slice %arg5[%rem3A_136, %dma_start3A_225, %dma_start3A_226] : memref<2x8x2048xf32, #tpu.memory_space<vmem>> -> memref<1x8x2048xf32, #tpu.memory_space<vmem>>
        %dma_start3A_228 = tpu.memref_squeeze %dma_start3A_227 : memref<1x8x2048xf32, #tpu.memory_space<vmem>> -> memref<8x2048xf32, #tpu.memory_space<vmem>>
        %dma_start3A_229 = tpu.memref_slice %arg2[%add3A_220, %mul3A_224] : memref<16384x4096xf32, #tpu.memory_space<hbm>> -> memref<8x2048xf32, #tpu.memory_space<hbm>>
        %dma_start3A_230 = tpu.memref_slice %arg8[%rem3A_136] : memref<2x!tpu.dma_semaphore, #tpu.memory_space<semaphore_mem>> -> memref<1x!tpu.dma_semaphore, #tpu.memory_space<semaphore_mem>>
        %dma_start3A_231 = tpu.memref_squeeze %dma_start3A_230 : memref<1x!tpu.dma_semaphore, #tpu.memory_space<semaphore_mem>> -> memref<!tpu.dma_semaphore, #tpu.memory_space<semaphore_mem>>
        %dma_start3A_232 = arith.constant 0 : i32
        %dma_start3A_233 = arith.constant 0 : i32
        %dma_start3A_234 = tpu.memref_slice %arg5[%rem3A_136, %dma_start3A_232, %dma_start3A_233] : memref<2x8x2048xf32, #tpu.memory_space<vmem>> -> memref<1x8x2048xf32, #tpu.memory_space<vmem>>
        %dma_start3A_235 = tpu.memref_squeeze %dma_start3A_234 : memref<1x8x2048xf32, #tpu.memory_space<vmem>> -> memref<8x2048xf32, #tpu.memory_space<vmem>>
        %dma_start3A_236 = tpu.memref_slice %arg2[%add3A_220, %mul3A_224] : memref<16384x4096xf32, #tpu.memory_space<hbm>> -> memref<8x2048xf32, #tpu.memory_space<hbm>>
        tpu.enqueue_dma source(%dma_start3A_236 : memref<8x2048xf32, #tpu.memory_space<hbm>>) target(%dma_start3A_235 : memref<8x2048xf32, #tpu.memory_space<vmem>>) target_semaphore(%dma_start3A_231 : memref<!tpu.dma_semaphore, #tpu.memory_space<semaphore_mem>>)
        %dma_start3A_237 = arith.constant 0 : i32
        %dma_start3A_238 = arith.constant 0 : i32
        %dma_start3A_239 = tpu.memref_slice %arg6[%rem3A_136, %dma_start3A_237, %dma_start3A_238] : memref<2x8x2048xf32, #tpu.memory_space<vmem>> -> memref<1x8x2048xf32, #tpu.memory_space<vmem>>
        %dma_start3A_240 = tpu.memref_squeeze %dma_start3A_239 : memref<1x8x2048xf32, #tpu.memory_space<vmem>> -> memref<8x2048xf32, #tpu.memory_space<vmem>>
        %dma_start3A_241 = tpu.memref_slice %arg3[%add3A_220, %mul3A_224] : memref<16384x4096xf32, #tpu.memory_space<hbm>> -> memref<8x2048xf32, #tpu.memory_space<hbm>>
        %dma_start3A_242 = tpu.memref_slice %arg9[%rem3A_136] : memref<2x!tpu.dma_semaphore, #tpu.memory_space<semaphore_mem>> -> memref<1x!tpu.dma_semaphore, #tpu.memory_space<semaphore_mem>>
        %dma_start3A_243 = tpu.memref_squeeze %dma_start3A_242 : memref<1x!tpu.dma_semaphore, #tpu.memory_space<semaphore_mem>> -> memref<!tpu.dma_semaphore, #tpu.memory_space<semaphore_mem>>
        %dma_start3A_244 = arith.constant 0 : i32
        %dma_start3A_245 = arith.constant 0 : i32
        %dma_start3A_246 = tpu.memref_slice %arg6[%rem3A_136, %dma_start3A_244, %dma_start3A_245] : memref<2x8x2048xf32, #tpu.memory_space<vmem>> -> memref<1x8x2048xf32, #tpu.memory_space<vmem>>
        %dma_start3A_247 = tpu.memref_squeeze %dma_start3A_246 : memref<1x8x2048xf32, #tpu.memory_space<vmem>> -> memref<8x2048xf32, #tpu.memory_space<vmem>>
        %dma_start3A_248 = tpu.memref_slice %arg3[%add3A_220, %mul3A_224] : memref<16384x4096xf32, #tpu.memory_space<hbm>> -> memref<8x2048xf32, #tpu.memory_space<hbm>>
        tpu.enqueue_dma source(%dma_start3A_248 : memref<8x2048xf32, #tpu.memory_space<hbm>>) target(%dma_start3A_247 : memref<8x2048xf32, #tpu.memory_space<vmem>>) target_semaphore(%dma_start3A_243 : memref<!tpu.dma_semaphore, #tpu.memory_space<semaphore_mem>>)
      } else {
      }
      %scan3A_213 = arith.constant 0 : i32
      scf.yield %scan3A_213 : i32
    }
    %scan3A_83 = arith.constant 58 : i32
    %div3A_84 = arith.constant 56 : i32
    %div3A_85 = arith.constant 2 : i32
    %div3A_86 = arith.divsi %div3A_84, %div3A_85 : i32
    %mul3A_87 = arith.constant 8 : i32
    %mul3A_88 = arith.muli %div3A_86, %mul3A_87 : i32
    %add3A_89 = arith.addi %mul3A_2, %mul3A_88 : i32
    %rem3A_90 = arith.constant 56 : i32
    %rem3A_91 = arith.constant 2 : i32
    %rem3A_92 = arith.remsi %rem3A_90, %rem3A_91 : i32
    %mul3A_93 = arith.constant 2048 : i32
    %mul3A_94 = arith.muli %rem3A_92, %mul3A_93 : i32
    %dma_wait3A = arith.constant 0 : i32
    %dma_wait3A_95 = arith.constant 0 : i32
    %dma_wait3A_96 = arith.constant 0 : i32
    %dma_wait3A_97 = arith.constant 0 : i32
    %dma_wait3A_98 = tpu.memref_slice %arg7[%dma_wait3A, %dma_wait3A_96, %dma_wait3A_97] : memref<2x8x2048xf32, #tpu.memory_space<vmem>> -> memref<1x8x2048xf32, #tpu.memory_space<vmem>>
    %dma_wait3A_99 = tpu.memref_squeeze %dma_wait3A_98 : memref<1x8x2048xf32, #tpu.memory_space<vmem>> -> memref<8x2048xf32, #tpu.memory_space<vmem>>
    %dma_wait3A_100 = tpu.memref_slice %arg4[%add3A_89, %mul3A_94] : memref<7424x4096xf32, #tpu.memory_space<hbm>> -> memref<8x2048xf32, #tpu.memory_space<hbm>>
    %dma_wait3A_101 = tpu.memref_slice %arg10[%dma_wait3A_95] : memref<2x!tpu.dma_semaphore, #tpu.memory_space<semaphore_mem>> -> memref<1x!tpu.dma_semaphore, #tpu.memory_space<semaphore_mem>>
    %dma_wait3A_102 = tpu.memref_squeeze %dma_wait3A_101 : memref<1x!tpu.dma_semaphore, #tpu.memory_space<semaphore_mem>> -> memref<!tpu.dma_semaphore, #tpu.memory_space<semaphore_mem>>
    %dma_wait3A_103 = tpu.memref_slice %arg4[%add3A_89, %mul3A_94] : memref<7424x4096xf32, #tpu.memory_space<hbm>> -> memref<8x2048xf32, #tpu.memory_space<hbm>>
    %dma_wait3A_104 = arith.constant 0 : i32
    %dma_wait3A_105 = arith.constant 0 : i32
    %dma_wait3A_106 = tpu.memref_slice %arg7[%dma_wait3A, %dma_wait3A_104, %dma_wait3A_105] : memref<2x8x2048xf32, #tpu.memory_space<vmem>> -> memref<1x8x2048xf32, #tpu.memory_space<vmem>>
    %dma_wait3A_107 = tpu.memref_squeeze %dma_wait3A_106 : memref<1x8x2048xf32, #tpu.memory_space<vmem>> -> memref<8x2048xf32, #tpu.memory_space<vmem>>
    tpu.wait_dma2 semaphore(%dma_wait3A_102 : memref<!tpu.dma_semaphore, #tpu.memory_space<semaphore_mem>>) src(%dma_wait3A_107 : memref<8x2048xf32, #tpu.memory_space<vmem>>) dst(%dma_wait3A_103 : memref<8x2048xf32, #tpu.memory_space<hbm>>)
    %div3A_108 = arith.constant 57 : i32
    %div3A_109 = arith.constant 2 : i32
    %div3A_110 = arith.divsi %div3A_108, %div3A_109 : i32
    %mul3A_111 = arith.constant 8 : i32
    %mul3A_112 = arith.muli %div3A_110, %mul3A_111 : i32
    %add3A_113 = arith.addi %mul3A_2, %mul3A_112 : i32
    %rem3A_114 = arith.constant 57 : i32
    %rem3A_115 = arith.constant 2 : i32
    %rem3A_116 = arith.remsi %rem3A_114, %rem3A_115 : i32
    %mul3A_117 = arith.constant 2048 : i32
    %mul3A_118 = arith.muli %rem3A_116, %mul3A_117 : i32
    %dma_wait3A_119 = arith.constant 1 : i32
    %dma_wait3A_120 = arith.constant 1 : i32
    %dma_wait3A_121 = arith.constant 0 : i32
    %dma_wait3A_122 = arith.constant 0 : i32
    %dma_wait3A_123 = tpu.memref_slice %arg7[%dma_wait3A_119, %dma_wait3A_121, %dma_wait3A_122] : memref<2x8x2048xf32, #tpu.memory_space<vmem>> -> memref<1x8x2048xf32, #tpu.memory_space<vmem>>
    %dma_wait3A_124 = tpu.memref_squeeze %dma_wait3A_123 : memref<1x8x2048xf32, #tpu.memory_space<vmem>> -> memref<8x2048xf32, #tpu.memory_space<vmem>>
    %dma_wait3A_125 = tpu.memref_slice %arg4[%add3A_113, %mul3A_118] : memref<7424x4096xf32, #tpu.memory_space<hbm>> -> memref<8x2048xf32, #tpu.memory_space<hbm>>
    %dma_wait3A_126 = tpu.memref_slice %arg10[%dma_wait3A_120] : memref<2x!tpu.dma_semaphore, #tpu.memory_space<semaphore_mem>> -> memref<1x!tpu.dma_semaphore, #tpu.memory_space<semaphore_mem>>
    %dma_wait3A_127 = tpu.memref_squeeze %dma_wait3A_126 : memref<1x!tpu.dma_semaphore, #tpu.memory_space<semaphore_mem>> -> memref<!tpu.dma_semaphore, #tpu.memory_space<semaphore_mem>>
    %dma_wait3A_128 = tpu.memref_slice %arg4[%add3A_113, %mul3A_118] : memref<7424x4096xf32, #tpu.memory_space<hbm>> -> memref<8x2048xf32, #tpu.memory_space<hbm>>
    %dma_wait3A_129 = arith.constant 0 : i32
    %dma_wait3A_130 = arith.constant 0 : i32
    %dma_wait3A_131 = tpu.memref_slice %arg7[%dma_wait3A_119, %dma_wait3A_129, %dma_wait3A_130] : memref<2x8x2048xf32, #tpu.memory_space<vmem>> -> memref<1x8x2048xf32, #tpu.memory_space<vmem>>
    %dma_wait3A_132 = tpu.memref_squeeze %dma_wait3A_131 : memref<1x8x2048xf32, #tpu.memory_space<vmem>> -> memref<8x2048xf32, #tpu.memory_space<vmem>>
    tpu.wait_dma2 semaphore(%dma_wait3A_127 : memref<!tpu.dma_semaphore, #tpu.memory_space<semaphore_mem>>) src(%dma_wait3A_132 : memref<8x2048xf32, #tpu.memory_space<vmem>>) dst(%dma_wait3A_128 : memref<8x2048xf32, #tpu.memory_space<hbm>>)
    return
  }
}

module attributes {stable_mosaic.version = 14 : i64} {
  func.func @_saf_tc_body(%arg0: i32, %arg1: memref<256x4096xf32, #tpu.memory_space<vmem>>, %arg2: memref<256x4096xf32, #tpu.memory_space<vmem>>, %arg3: memref<256x4096xf32, #tpu.memory_space<vmem>>) attributes {dimension_semantics = [#tpu.dimension_semantics<arbitrary>], iteration_bounds = array<i64: 35>, scalar_prefetch = 0 : i64, scratch_operands = 0 : i64, tpu.core_type = #tpu.core_type<tc>, window_params = [{transform_indices = @transform_0, window_bounds = array<i64: 256, 4096>}, {transform_indices = @transform_1, window_bounds = array<i64: 256, 4096>}, {transform_indices = @transform_2, window_bounds = array<i64: 256, 4096>}]} {
    %get3A = arith.constant 0 : index
    %get3A_0 = arith.constant 0 : index
    %get3A_1 = vector.load %arg2[%get3A, %get3A_0] : memref<256x4096xf32, #tpu.memory_space<vmem>>, vector<256x4096xf32>
    %le3A = arith.constant 1.000000e-01 : f32
    %le3A_2 = vector.broadcast %le3A : f32 to vector<256x4096xf32>
    %le3A_3 = arith.cmpf ole, %get3A_1, %le3A_2 : vector<256x4096xf32>
    %get3A_4 = arith.constant 0 : index
    %get3A_5 = arith.constant 0 : index
    %get3A_6 = vector.load %arg1[%get3A_4, %get3A_5] : memref<256x4096xf32, #tpu.memory_space<vmem>>, vector<256x4096xf32>
    %jit3A = arith.constant 3.000000e-03 : f32
    %broadcast_in_dim3A = vector.broadcast %jit3A : f32 to vector<256x4096xf32>
    %select_n3A = arith.select %le3A_3, %broadcast_in_dim3A, %get3A_6 : vector<256x4096xi1>, vector<256x4096xf32>
    %gt3A = arith.constant 0.899999976 : f32
    %gt3A_7 = vector.broadcast %gt3A : f32 to vector<256x4096xf32>
    %gt3A_8 = arith.cmpf ogt, %get3A_1, %gt3A_7 : vector<256x4096xf32>
    %jit3A_9 = arith.constant 3.000000e-06 : f32
    %broadcast_in_dim3A_10 = vector.broadcast %jit3A_9 : f32 to vector<256x4096xf32>
    %select_n3A_11 = arith.select %gt3A_8, %broadcast_in_dim3A_10, %select_n3A : vector<256x4096xi1>, vector<256x4096xf32>
    %swap3A = arith.constant 0 : index
    %swap3A_12 = arith.constant 0 : index
    %swap3A_13 = vector.load %arg3[%swap3A, %swap3A_12] : memref<256x4096xf32, #tpu.memory_space<vmem>>, vector<256x4096xf32>
    tpu.vector_store %arg3[%swap3A, %swap3A_12], %select_n3A_11 {strides = array<i32>} : memref<256x4096xf32, #tpu.memory_space<vmem>>, vector<256x4096xf32>,
    return
  }
  func.func @transform_0(%arg0: i32) -> (i32, i32) {
    %add3A = arith.constant 29 : i32
    %add3A_0 = arith.addi %arg0, %add3A : i32
    %c0_i32 = arith.constant 0 : i32
    %c0_i32_1 = arith.constant 0 : i32
    return %add3A_0, %c0_i32 : i32, i32
  }
  func.func @transform_1(%arg0: i32) -> (i32, i32) {
    %add3A = arith.constant 29 : i32
    %add3A_0 = arith.addi %arg0, %add3A : i32
    %c0_i32 = arith.constant 0 : i32
    %c0_i32_1 = arith.constant 0 : i32
    return %add3A_0, %c0_i32 : i32, i32
  }
  func.func @transform_2(%arg0: i32) -> (i32, i32) {
    %c0_i32 = arith.constant 0 : i32
    %c0_i32_0 = arith.constant 0 : i32
    return %arg0, %c0_i32 : i32, i32
  }
}

</mosaic_0001>

<sc_bundles>
// kernel: kernel.4.cloned.1.call-start
scs
__scs_entry_jumppad:
0x0: {  	(pc) =	sbr.rel $0x88, $3  }
0x1: {  	(tag) =	ssettag $0x0;
	lr =	simm.s32 $0x1  }
0x2: {  	[smem:$0x3F9F] =	sst lr;
	_ =	strace $0xD0000000  }
0x3: {  	_ = 	snop  }
0x4: {  	_ = 	snop  }
0x5: {  	_ = 	snop  }
0x6: {  	_ = 	snop  }
0x7: {  	_ = 	snop  }
__scs_overlays_trampoline_lowered:
0x8: {  	[smem:$0x3FAE] =	sst s0  }
0x9: {  	[smem:$0x3FAF] =	sst s1  }
0xa: {  	[smem:$0x3FB0] =	sst s2  }
0xb: {  	[smem:$0x3FB1] =	sst s3  }
0xc: {  	[smem:$0x3FB2] =	sst s4  }
0xd: {  	[smem:$0x3FB3] =	sst s5  }
0xe: {  	[smem:$0x3FB4] =	sst s6  }
0xf: {  	[smem:$0x3FB5] =	sst s7  }
0x10: {  	[smem:$0x3FB6] =	sst s8  }
0x11: {  	[smem:$0x3FB7] =	sst s9;
	s0 =	simm.s32 @!p0 $0x0  }
0x12: {  	s1 =	sld [smem:$0x3F9D];
	s0 =	simm.s32 @p0 $0x1  }
0x13: {  	[smem:$0x3FB8] =	sst s0;
	s0 =	simm.s32 @!p1 $0x0  }
0x14: {  	s2 =	sld [smem:$0x3F9C];
	s0 =	simm.s32 @p1 $0x1  }
0x15: {  	[smem:$0x3FB9] =	sst s0;
	s0 =	simm.s32 @!p2 $0x0  }
0x16: {  	s3 =	sld [smem:$0x3FDB];
	s0 =	simm.s32 @p2 $0x1  }
0x17: {  	s4 =	simm.s32 $0x1BF5;
	[smem:$0x3FBB] =	sst s0  }
0x18: {  	s0 =	sld [smem:$0x3F9E];
	_ =	swait.ge [sflag:s4], $0x0  }
0x19: {  	s7 =	sld [smem:$0x3F9F]  }
0x1a: {  	s8 =	sadd.s32 $0xFFFFE003, lr  }
0x1b: {  	s9 =	sadd.s32 $0xFFFFFEF7, lr;
	s5 =	simm.s32 $0xFFFFFFFF;
	p2 =	slt.u32 s8, $0xFFFFF086  }
0x1c: {  	p1 =	slt.u32 s9, $0xF7A;
	s5 =	simm.s32 @!p2 $0x0  }
0x1d: {  	s5 =	simm.s32 @p1 $0x1;
	p0 =	seq.s32 s7, s2  }
0x1e: {  	s7 =	smul.u32 @!p0 $0xF7A, s2;
	p2 =	seq.s32 @!p0 s5, $0x0  }
0x1f: {  	s9 =	smul.u32 $0xF7A, s1;
	s8 =	simm.s32 @!p0 $0x1BF5;
	p2 =	por !p2, p0  }
0x20: {  	[sflag:s8] =	ssyncset.s32 @!p0 $0xFFFFF086;
	s6 =	sadd.s32 @!p0 s3, s7;
	s7 =	simm.s32 @!p0 $0x108  }
0x21: {  	s3 =	sadd.s32 s3, s9;
	s6 =	sadd.s32 @!p0 $0x88, s6;
	s7 =	simm.s32 @p2 $0x1082  }
0x22: {  	[simem:s7], [sflag:s8] =	dma.local @!p0 [hbm:s6], $0xF7A  }
0x23: {  	s9 =	sor.u32 $0xD0000000, s2;
	s6 =	simm.s32 $0x108;
	_ =	swait.ge @!p0 [sflag:s8], $0x0  }
0x24: {  	s3 =	sadd.s32 $0x88, s3;
	s6 =	simm.s32 @!p1 $0x1082;
	[sflag:s4] =	ssyncset.s32 $0xFFFFF086  }
0x25: {  	[simem:s6], [sflag:s4] =	dma.local [hbm:s3], $0xF7A  }
0x26: {  	[smem:$0x3F9F] =	sst s1;
	(tag) =	ssettag s2;
	_ =	strace s9  }
0x27: {  	s1 =	sld [smem:$0x3FAF]  }
0x28: {  	s2 =	sld [smem:$0x3FB0]  }
0x29: {  	s4 =	sld [smem:$0x3FB2]  }
0x2a: {  	p0 =	seq.s32 s5, $0x0;
	s5 =	sld [smem:$0x3FB3]  }
0x2b: {  	s6 =	sld [smem:$0x3FB4]  }
0x2c: {  	s7 =	sld [smem:$0x3FB5]  }
0x2d: {  	s3 =	simm.s32 $0x108;
	s8 =	sld [smem:$0x3FB6]  }
0x2e: {  	s3 =	simm.s32 @!p0 $0x1082;
	s9 =	sld [smem:$0x3FB7]  }
0x2f: {  	lr =	sadd.s32 s0, s3;
	s0 =	sld [smem:$0x3FAE]  }
0x30: {  	s3 =	sld [smem:$0x3FB1]  }
0x31: {  	[smem:$0x3FBA] =	sst s10  }
0x32: {  	s10 =	sld [smem:$0x3FB8];
	_ =	sdelay $0x3  }
0x33: {  	p0 =	seq.s32 s10, $0x1;
	s10 =	sld [smem:$0x3FBA];
	_ =	sdelay $0x3  }
0x34: {  	[smem:$0x3FBA] =	sst s10  }
0x35: {  	s10 =	sld [smem:$0x3FB9];
	_ =	sdelay $0x3  }
0x36: {  	p1 =	seq.s32 s10, $0x1;
	s10 =	sld [smem:$0x3FBA];
	_ =	sdelay $0x3  }
0x37: {  	[smem:$0x3FBA] =	sst s10  }
0x38: {  	s10 =	sld [smem:$0x3FBB]  }
0x39: {  	_ = 	snop;
	(pc) =	sbr.ind lr, $3  }
0x3a: {  	_ = 	snop  }
0x3b: {  	_ = 	snop  }
0x3c: {  	p2 =	seq.s32 s10, $0x1;
	s10 =	sld [smem:$0x3FBA]  }
0x3d: {  	_ =	shalt  }
0x3e: {  	_ =	shalt  }
0x3f: {  	_ =	shalt  }
0x40: {  	_ =	shalt  }
0x41: {  	_ =	shalt  }
0x42: {  	_ =	shalt  }
0x43: {  	_ =	shalt  }
0x44: {  	_ =	shalt  }
0x45: {  	_ =	shalt  }
0x46: {  	_ =	shalt  }
0x47: {  	_ =	shalt  }
0x48: {  	_ =	shalt  }
0x49: {  	_ =	shalt  }
0x4a: {  	_ =	shalt  }
0x4b: {  	_ =	shalt  }
0x4c: {  	_ =	shalt  }
0x4d: {  	_ =	shalt  }
0x4e: {  	_ =	shalt  }
0x4f: {  	_ =	shalt  }
0x50: {  	_ =	shalt  }
0x51: {  	_ =	shalt  }
0x52: {  	_ =	shalt  }
0x53: {  	_ =	shalt  }
0x54: {  	_ =	shalt  }
0x55: {  	_ =	shalt  }
0x56: {  	_ =	shalt  }
0x57: {  	_ =	shalt  }
0x58: {  	_ =	shalt  }
0x59: {  	_ =	shalt  }
0x5a: {  	_ =	shalt  }
0x5b: {  	_ =	shalt  }
0x5c: {  	_ =	shalt  }
0x5d: {  	_ =	shalt  }
0x5e: {  	_ =	shalt  }
0x5f: {  	_ =	shalt  }
0x60: {  	_ =	shalt  }
0x61: {  	_ =	shalt  }
0x62: {  	_ =	shalt  }
0x63: {  	_ =	shalt  }
0x64: {  	_ =	shalt  }
0x65: {  	_ =	shalt  }
0x66: {  	_ =	shalt  }
0x67: {  	_ =	shalt  }
0x68: {  	_ =	shalt  }
0x69: {  	_ =	shalt  }
0x6a: {  	_ =	shalt  }
0x6b: {  	_ =	shalt  }
0x6c: {  	_ =	shalt  }
0x6d: {  	_ =	shalt  }
0x6e: {  	_ =	shalt  }
0x6f: {  	_ =	shalt  }
0x70: {  	_ =	shalt  }
0x71: {  	_ =	shalt  }
0x72: {  	_ =	shalt  }
0x73: {  	_ =	shalt  }
0x74: {  	_ =	shalt  }
0x75: {  	_ =	shalt  }
0x76: {  	_ =	shalt  }
0x77: {  	_ =	shalt  }
0x78: {  	_ =	shalt  }
0x79: {  	_ =	shalt  }
0x7a: {  	_ =	shalt  }
0x7b: {  	_ =	shalt  }
0x7c: {  	_ =	shalt  }
0x7d: {  	_ =	shalt  }
0x7e: {  	_ =	shalt  }
0x7f: {  	_ =	shalt  }
0x80: {  	_ =	shalt  }
0x81: {  	_ =	shalt  }
0x82: {  	_ =	shalt  }
0x83: {  	_ =	shalt  }
0x84: {  	_ =	shalt  }
0x85: {  	_ =	shalt  }
0x86: {  	_ =	shalt  }
0x87: {  	_ =	shalt  }
.Lfunc_end0:
.L_simem_size_0:
called_computation_lowered:
.L_overlay_start_0:
0x88: {  	s2 =	sld [smem:$0x3FD9]  }
0x89: {  	s3 =	sld [smem:$0x3FFE];
	_ =	sdelay $0x1  }
0x8a: {  	s1 =	srdreg.scid  }
0x8b: {  	s0 =	sand.u32 $0x1, s1  }
0x8c: {  	s17 =	sshll.u32 s0, $0xA;
	s2 =	sadd.s32 s3, s2  }
0x8d: {  	s2 =	sadd.s32 s2, s17  }
0x8e: {  	[smem:$0x3FC6] =	sst s2  }
0x8f: {  	_ = 	snop  }
0x90: {  	s2 =	sld [smem:$0x3FC9]  }
0x91: {  	s18 =	sld [smem:$0x3FC8];
	(tm) =	ssettm $0x1  }
0x92: {  	s4 =	sld [smem:$0x3FFB];
	_ =	sdelay $0x3  }
0x93: {  	_ =	strace s4  }
0x94: {  	s4 =	sld [smem:$0x3FFC];
	_ =	sdelay $0x3  }
0x95: {  	_ =	strace s4  }
0x96: {  	s4 =	sld [smem:$0x3FFD];
	_ =	sdelay $0x3  }
0x97: {  	_ =	strace s4  }
0x98: {  	_ =	strace $0x8FFFFFFF  }
0x99: {  	s19 =	sld [smem:$0x3FDB];
	_ =	sdelay $0x1  }
0x9a: {  	s5 =	simm.s32 $_scs_section_size  }
0x9b: {  	s6 =	simm.s32 $_size__tile_overlayer_lowered;
	s7 =	simm.s32 $_tile_overlayer_lowered  }
0x9c: {  	s22 =	simm.s32 $0x1BFF;
	s21 =	sshll.u32 s7, $0x1;
	s4 =	sadd.s32 s5, s19  }
0x9d: {  	s8 =	simm.s32 $0x0;
	s20 =	sshll.u32 s6, $0x1;
	s6 =	sadd.s32 s21, s4  }
0x9e: {  	[timem:s8], [sflag:s22] =	dma.local [hbm:s6], s20  }
0x9f: {  	_ =	swait.ge [sflag:s22], s20  }
0xa0: {  	s5 =	ssub.s32 $0x0, s20;
	[sflag:s22] =	ssyncset.done $0x0  }
0xa1: {  	[sflag:s22] =	ssyncadd.s32 s5;
	_ =	sdelay $0x1  }
0xa2: {  	s23 =	simm.s32 $0x1B8B  }
0xa3: {  	_ =	swait.ge [sflag:s23], $0x1  }
0xa4: {  	[sflag:s23] =	ssyncset.done $0x0  }
0xa5: {  	s25 =	simm.s32 $0x1B8E;
	s24 =	sld [smem:$0x3FFE];
	[sflag:s23] =	ssyncadd.s32 $0xFFFFFFFF  }
0xa6: {  	s26 =	simm.s32 $execute0_lowered;
	[smem:$0x3FD2] =	sst s25  }
0xa7: {  	s6 =	sshll.u32 s26, $0x1;
	_ =	strace $0x80000046;
	[dreg:$0x1] =	wrdreg $0xFFFFFFFF  }
0xa8: {  	s28 =	simm.s32 $_size_execute0_lowered;
	s4 =	sadd.s32 s4, s6;
	[dreg:$0x0] =	wrdreg $0x0  }
0xa9: {  	s6 =	sshll.u32 s28, $0x1;
	[dreg:$0x2] =	wrdreg s4  }
0xaa: {  	[dreg:$0x3] =	wrdreg s6  }
0xab: {  	[dreg:$0x4] =	wrdreg $0xC0  }
0xac: {  	_ =	task [dreg:s8], $0x5FFFF  }
0xad: {  	[dreg:$0x1] =	wrdreg $0xFFFFFFFF  }
0xae: {  	[dreg:$0x0] =	wrdreg $0x60  }
0xaf: {  	[dreg:$0x2] =	wrdreg s2  }
0xb0: {  	[dreg:$0x3] =	wrdreg s18  }
0xb1: {  	[dreg:$0x4] =	wrdreg s24  }
0xb2: {  	[dreg:$0x5] =	wrdreg $0x9  }
0xb3: {  	_ =	task.clear_ibuf [dreg:s8], $0x6FFFF;
	_ =	strace $0x90000046  }
0xb4: {  	s29 =	simm.s32 $0x9;
	_ =	strace $0x80000048  }
0xb5: {  	_ =	swait.ge [sflag:s29], $0x1  }
0xb6: {  	[sflag:s29] =	ssyncadd.s32 $0xFFFFFFFF  }
0xb7: {  	_ =	strace $0x90000048  }
0xb8: {  	_ =	sfence  }
0xb9: {  	s30 =	sld [smem:$0x0];
	_ =	sdelay $0x2  }
0xba: {  	s31 =	sshll.u32 s1, $0xD;
	s1 =	sshrl.u32 s1, $0x2  }
0xbb: {  	s3 =	sand.u32 $0x4000, s31;
	s1 =	sadd.s32 s1, s30  }
0xbc: {  	s0 =	sor.u32 s3, s0;
	s1 =	sshll.u32 s1, $0x11  }
0xbd: {  	s0 =	sor.u32 s1, s0  }
0xbe: {  	s0 =	sadd.s32 $0x8F2B, s0  }
0xbf: {  	[sflag:s0] =	ssyncadd.remote.s32 $0x1  }
0xc0: {  	_ =	sfence.sel $0xFFFF  }
0xc1: {  	[dreg:$0x0] =	wrdreg $0xFFFFFFFF;
	(pc) =	sbr.abs _section_cstart, $3  }
0xc2: {  	[dreg:$0x1] =	wrdreg $0xFFFFFFFF  }
0xc3: {  	_ =	task.clear_ibuf [dreg:s8], $0x2FFFF;
	_ =	strace $0x9FFFFFFF  }
0xc4: {  	(tm) =	ssettm $0x7FFFFFFF  }
0xc5: {  	_ =	shalt  }
tec
execute0_lowered:
.L_overlay_start_1:
0x0: {  	(tag) =	ssettag $0x1  }
0x1: {  	s0 =	srdreg.scid;
	s2 =	stileid.u32  }
0x2: {  	s5 =	rddreg [dreg:$0x0];
	s0 =	sand.u32 $0x1, s0;
	s2 =	sshll.u32 s2, $0x1  }
0x3: {  	s6 =	rddreg [dreg:$0x1];
	s2 =	sor.u32 s0, s2  }
0x4: {  	s1 =	rddreg [dreg:$0x2];
	s3 =	simm.s32 $0x0;
	s26 =	smul.u32 $0x1D000, s2  }
0x5: {  	[smem:$0x7FF] =	sst s3;
	s1 =	sadd.s32 $0x400, s1;
	s31 =	smul.u32 $0x1D, s2  }
0x6: {  	s0 =	ssub.s32 $0x2, s0;
	_ =	strace $0x80000047;
	[dreg:$0x4] =	wrdreg s1  }
0x7: {  	s4 =	sshrl.u32 s0, $0x1;
	s29 =	sadd.s32 s5, s26;
	[dreg:$0x9] =	wrdreg s31  }
0x8: {  	s0 =	ssub.s32 s0, s4;
	s3 =	sadd.s32 s6, s26;
	[dreg:$0x5] =	wrdreg s29  }
0x9: {  	s28 =	sor.u32 $0x800, s26;
	s0 =	smax.u32 s0, $0x1;
	[dreg:$0x6] =	wrdreg s3  }
0xa: {  	s30 =	sadd.s32 s5, s28;
	[dreg:$0xa] =	wrdreg s0  }
0xb: {  	s1 =	sadd.s32 s6, s28;
	[dreg:$0x7] =	wrdreg s30  }
0xc: {  	s2 =	simm.s32 $0x0;
	[dreg:$0x8] =	wrdreg s1  }
.LBB2_1:
0xd: {  	[dreg:$0xb] =	wrdreg s2  }
0xe: {  	s1 =	rddreg [dreg:$0x5]  }
0xf: {  	s0 =	simm.s32 $0x0;
	s25 =	rddreg [dreg:$0x6]  }
0x10: {  	[tilespmem:s0], [sflag:$0x1] =	stream.linear.gather [hbm4b:s1+s0], $0x4000, $0x38;
	[tilespmem:$0x18000] =	vst v63  }
0x11: {  	s26 =	simm.s32 $0x8000;
	s28 =	rddreg [dreg:$0x7]  }
0x12: {  	[tilespmem:s26], [sflag:$0x3] =	stream.linear.gather [hbm4b:s25+s0], $0x4000, $0x38;
	[tilespmem:$0x18000] =	vst v63  }
0x13: {  	s29 =	simm.s32 $0x4000;
	s30 =	rddreg [dreg:$0x8]  }
0x14: {  	[tilespmem:s29], [sflag:$0x2] =	stream.linear.gather [hbm4b:s28+s0], $0x4000, $0x38;
	[tilespmem:$0x18000] =	vst v63  }
0x15: {  	s31 =	simm.s32 $0xC000;
	p0 =	por $0x0, $0x0;
	s18 =	simm.s32 $0x0  }
0x16: {  	[tilespmem:s31], [sflag:$0x4] =	stream.linear.gather [hbm4b:s30+s0], $0x4000, $0x38;
	[tilespmem:$0x18000] =	vst v63  }
.LBB2_2:
0x17: {  	s21 =	sand.u32 $0x1, s18  }
0x18: {  	s19 =	sadd.s32 $0x1, s21  }
0x19: {  	_ =	swait.ge [sflag:s19], $0x4000  }
0x1a: {  	[sflag:s19] =	ssyncset.done $0x0  }
0x1b: {  	s20 =	sadd.s32 $0x3, s21;
	[sflag:s19] =	ssyncadd.s32 $0xFFFFC000  }
0x1c: {  	_ =	swait.ge [sflag:s20], $0x4000  }
0x1d: {  	p1 =	slt.u32 s18, $0x2;
	[sflag:s20] =	ssyncset.done $0x0  }
0x1e: {  	s0 =	simm.s32 $0x1;
	s1 =	sadd.s32 @!p1 $0x5, s21;
	[sflag:s20] =	ssyncadd.s32 $0xFFFFC000  }
0x1f: {  	s0 =	simm.s32 @!p0 $0x0;
	_ =	swait.ge @!p1 [sflag:s1], $0x4000  }
0x20: {  	s10 =	sshll.u32 s0, $0xE;
	[sflag:s1] =	ssyncset.done @!p1 $0x0  }
0x21: {  	s24 =	sor.u32 $0x8040, s10;
	[sflag:s1] =	ssyncadd.s32 @!p1 $0xFFFFC000  }
0x22: {  	s5 =	sor.u32 $0x40, s10;
	v0 =	vld [tilespmem:s24+$0x30]  }
0x23: {  	v1 =	vld [tilespmem:s5+$0x30]  }
0x24: {  	v2 =	vld [tilespmem:s24+$0xFFFFFFD0]  }
0x25: {  	s22 =	sor.u32 $0x103F0, s10;
	v3 =	vld [tilespmem:s24+$0xFFFFFFE0]  }
0x26: {  	s23 =	sor.u32 $0x3F0, s10;
	s29 =	sor.u32 $0x83F0, s10;
	s30 =	sor.u32 $0x10370, s10;
	v4 =	vld [tilespmem:s24+$0xFFFFFFF0]  }
0x27: {  	s31 =	sor.u32 $0x370, s10;
	s2 =	sor.u32 $0x8370, s10;
	s0 =	sor.u32 $0x102F0, s10;
	v5 =	vld [tilespmem:s24+$0x0]  }
0x28: {  	s12 =	sor.u32 $0x2F0, s10;
	s13 =	sor.u32 $0x82F0, s10;
	s14 =	sor.u32 $0x10270, s10;
	v6 =	vld [tilespmem:s24+$0x10]  }
0x29: {  	s6 =	sor.u32 $0x270, s10;
	s7 =	sor.u32 $0x8270, s10;
	s8 =	sor.u32 $0x101F0, s10;
	v7 =	vld [tilespmem:s24+$0x20]  }
0x2a: {  	s9 =	sor.u32 $0x1F0, s10;
	s11 =	sor.u32 $0x81F0, s10;
	s15 =	sor.u32 $0x10170, s10;
	v8 =	vld [tilespmem:s24+$0xFFFFFFC0]  }
0x2b: {  	s16 =	sor.u32 $0x170, s10;
	s17 =	sor.u32 $0x8170, s10;
	s3 =	sor.u32 $0xF0, s10;
	v9 =	vld [tilespmem:s5+$0xFFFFFFC0]  }
0x2c: {  	s4 =	sor.u32 $0x80F0, s10;
	s26 =	sadd.s32 $0x400, s24;
	s1 =	sor.u32 $0x100F0, s10;
	v11 =	vld [tilespmem:s5+$0xFFFFFFD0];
	vm0 =	vle.f32 v0, $1.000000010e-01  }
0x2d: {  	s10 =	sor.u32 $0x10040, s10;
	s24 =	sshll.u32 s21, $0xE;
	vm11 =	vle.f32 v2, $1.000000010e-01;
	vm6 =	vle.f32 v4, $1.000000010e-01;
	vm3 =	vgt.f32 v4, $8.999999760e-01;
	v4 =	vld [tilespmem:s5+$0x0]  }
0x2e: {  	vm1 =	vgt.f32 v2, $8.999999760e-01;
	vm9 =	vle.f32 v3, $1.000000010e-01;
	vm7 =	vle.f32 v5, $1.000000010e-01;
	v2 =	vld [tilespmem:s5+$0x10]  }
0x2f: {  	s25 =	sshrl.u32 s18, $0x1;
	v1 =	vsel vm0, $0x3B449BA6, v1;
	vm0 =	vgt.f32 v0, $8.999999760e-01;
	v0 =	vld [tilespmem:s5+$0xFFFFFFE0]  }
0x30: {  	vm2 =	vgt.f32 v5, $8.999999760e-01;
	v10 =	vsel vm0, $0x3649539C, v1;
	v1 =	vld [tilespmem:s5+$0xFFFFFFF0];
	[dreg:$0xe] =	wrdreg s25  }
0x31: {  	vm10 =	vle.f32 v6, $1.000000010e-01;
	vm5 =	vle.f32 v7, $1.000000010e-01;
	vm13 =	vle.f32 v8, $1.000000010e-01;
	s25 =	sor.u32 $0x8000, s24;
	[tilespmem:s10+$0x30] =	vst v10  }
0x32: {  	vm8 =	vgt.f32 v6, $8.999999760e-01;
	vm4 =	vgt.f32 v7, $8.999999760e-01;
	vm0 =	vgt.f32 v3, $8.999999760e-01;
	v3 =	vld [tilespmem:s5+$0x20];
	[dreg:$0xc] =	wrdreg s25;
	s25 =	sor.u32 $0x10000, s24  }
0x33: {  	s28 =	simm.s32 $0x0;
	vm12 =	vgt.f32 v8, $8.999999760e-01;
	v5 =	vsel vm13, $0x3B449BA6, v9;
	v6 =	vsel vm11, $0x3B449BA6, v11;
	[dreg:$0xd] =	wrdreg s25;
	s25 =	smov.u32 s10  }
.LBB2_3:
0x34: {  	v7 =	vld [tilespmem:s26+$0x30];
	s28 =	sadd.s32 $0x80, s28;
	v0 =	vsel vm9, $0x3B449BA6, v0;
	s5 =	sadd.s32 $0x400, s5  }
0x35: {  	v8 =	vld [tilespmem:s5+$0x30];
	p1 =	slt.u32 s28, $0x780;
	v1 =	vsel vm6, $0x3B449BA6, v1  }
0x36: {  	v5 =	vsel vm12, $0x3649539C, v5;
	v6 =	vsel vm1, $0x3649539C, v6;
	v9 =	vld [tilespmem:s26+$0xFFFFFFD0];
	v4 =	vsel vm7, $0x3B449BA6, v4  }
0x37: {  	v0 =	vsel vm0, $0x3649539C, v0;
	v1 =	vsel vm3, $0x3649539C, v1;
	v10 =	vld [tilespmem:s26+$0xFFFFFFE0];
	[tilespmem:s10+$0xFFFFFFC0] =	vst v5;
	v2 =	vsel vm10, $0x3B449BA6, v2  }
0x38: {  	v4 =	vsel vm2, $0x3649539C, v4;
	v5 =	vld [tilespmem:s26+$0xFFFFFFF0];
	[tilespmem:s10+$0xFFFFFFD0] =	vst v6;
	v2 =	vsel vm8, $0x3649539C, v2;
	v3 =	vsel vm5, $0x3B449BA6, v3  }
0x39: {  	v6 =	vld [tilespmem:s26+$0x0];
	vm0 =	vle.f32 v7, $1.000000010e-01;
	[tilespmem:s10+$0xFFFFFFE0] =	vst v0;
	v0 =	vsel vm4, $0x3649539C, v3  }
0x3a: {  	v3 =	vld [tilespmem:s26+$0x10];
	v8 =	vsel vm0, $0x3B449BA6, v8;
	vm0 =	vgt.f32 v7, $8.999999760e-01;
	[tilespmem:s10+$0xFFFFFFF0] =	vst v1  }
0x3b: {  	s10 =	sadd.s32 $0x400, s10;
	vm11 =	vle.f32 v9, $1.000000010e-01;
	v7 =	vld [tilespmem:s26+$0x20];
	v1 =	vsel vm0, $0x3649539C, v8;
	[tilespmem:s25+$0x0] =	vst v4  }
0x3c: {  	vm1 =	vgt.f32 v9, $8.999999760e-01;
	v4 =	vld [tilespmem:s26+$0xFFFFFFC0];
	vm9 =	vle.f32 v10, $1.000000010e-01;
	vm0 =	vgt.f32 v10, $8.999999760e-01;
	[tilespmem:s10+$0x30] =	vst v1  }
0x3d: {  	v8 =	vld [tilespmem:s5+$0xFFFFFFC0];
	vm6 =	vle.f32 v5, $1.000000010e-01;
	vm3 =	vgt.f32 v5, $8.999999760e-01;
	[tilespmem:s25+$0x10] =	vst v2  }
0x3e: {  	v9 =	vld [tilespmem:s5+$0xFFFFFFD0];
	vm7 =	vle.f32 v6, $1.000000010e-01;
	vm2 =	vgt.f32 v6, $8.999999760e-01;
	[tilespmem:s25+$0x20] =	vst v0;
	s25 =	smov.u32 s10  }
.Ltmp0:
0x3f: {  	v0 =	vld [tilespmem:s5+$0xFFFFFFE0];
	vm10 =	vle.f32 v3, $1.000000010e-01;
	vm8 =	vgt.f32 v3, $8.999999760e-01;
	(pc) =	sbr.rel @p1 .LBB2_3-.Ltmp0, $4  }
0x40: {  	v1 =	vld [tilespmem:s5+$0xFFFFFFF0];
	vm5 =	vle.f32 v7, $1.000000010e-01;
	vm4 =	vgt.f32 v7, $8.999999760e-01  }
0x41: {  	vm13 =	vle.f32 v4, $1.000000010e-01;
	vm12 =	vgt.f32 v4, $8.999999760e-01;
	v4 =	vld [tilespmem:s5+$0x0]  }
0x42: {  	v5 =	vsel vm13, $0x3B449BA6, v8;
	v2 =	vld [tilespmem:s5+$0x10]  }
0x43: {  	s26 =	sadd.s32 $0x400, s26;
	v6 =	vsel vm11, $0x3B449BA6, v9;
	v3 =	vld [tilespmem:s5+$0x20]  }
0x44: {  	v5 =	vsel vm12, $0x3649539C, v5  }
0x45: {  	v0 =	vsel vm9, $0x3B449BA6, v0;
	v6 =	vsel vm1, $0x3649539C, v6;
	[tilespmem:s10+$0xFFFFFFC0] =	vst v5  }
0x46: {  	v1 =	vsel vm6, $0x3B449BA6, v1;
	v0 =	vsel vm0, $0x3649539C, v0;
	[tilespmem:s10+$0xFFFFFFD0] =	vst v6  }
0x47: {  	v4 =	vsel vm7, $0x3B449BA6, v4;
	v1 =	vsel vm3, $0x3649539C, v1;
	[tilespmem:s10+$0xFFFFFFE0] =	vst v0  }
0x48: {  	v0 =	vsel vm10, $0x3B449BA6, v2;
	v2 =	vsel vm2, $0x3649539C, v4;
	[tilespmem:s10+$0xFFFFFFF0] =	vst v1  }
0x49: {  	v0 =	vsel vm8, $0x3649539C, v0;
	v1 =	vsel vm5, $0x3B449BA6, v3;
	[tilespmem:s25+$0x0] =	vst v2  }
0x4a: {  	v1 =	vsel vm4, $0x3649539C, v1;
	[tilespmem:s25+$0x10] =	vst v0  }
0x4b: {  	[tilespmem:s25+$0x20] =	vst v1  }
0x4c: {  	v0 =	vld [tilespmem:s4+$0x0]  }
0x4d: {  	v1 =	vld [tilespmem:s3+$0x0]  }
0x4e: {  	v2 =	vld [tilespmem:s4+$0xFFFFFFA0]  }
0x4f: {  	v3 =	vld [tilespmem:s4+$0xFFFFFFB0]  }
0x50: {  	v4 =	vld [tilespmem:s4+$0xFFFFFFC0]  }
0x51: {  	v5 =	vld [tilespmem:s4+$0xFFFFFFD0]  }
0x52: {  	v6 =	vld [tilespmem:s4+$0xFFFFFFE0]  }
0x53: {  	v7 =	vld [tilespmem:s4+$0xFFFFFFF0]  }
0x54: {  	v8 =	vld [tilespmem:s4+$0xFFFFFF90]  }
0x55: {  	v9 =	vld [tilespmem:s3+$0xFFFFFF90];
	vm0 =	vle.f32 v0, $1.000000010e-01;
	vm11 =	vle.f32 v2, $1.000000010e-01  }
0x56: {  	vm9 =	vgt.f32 v2, $8.999999760e-01;
	v2 =	vld [tilespmem:s3+$0xFFFFFFA0];
	vm10 =	vle.f32 v3, $1.000000010e-01;
	vm4 =	vgt.f32 v3, $8.999999760e-01  }
0x57: {  	vm8 =	vle.f32 v4, $1.000000010e-01;
	v3 =	vld [tilespmem:s3+$0xFFFFFFB0];
	vm5 =	vgt.f32 v4, $8.999999760e-01;
	vm7 =	vle.f32 v5, $1.000000010e-01  }
0x58: {  	vm2 =	vgt.f32 v5, $8.999999760e-01;
	v1 =	vsel vm0, $0x3B449BA6, v1;
	vm0 =	vgt.f32 v0, $8.999999760e-01;
	v0 =	vld [tilespmem:s3+$0xFFFFFFC0]  }
0x59: {  	s4 =	sadd.s32 $0x400, s4;
	vm6 =	vle.f32 v6, $1.000000010e-01;
	vm3 =	vle.f32 v7, $1.000000010e-01;
	v4 =	vld [tilespmem:s3+$0xFFFFFFD0];
	vm13 =	vle.f32 v8, $1.000000010e-01  }
0x5a: {  	vm1 =	vgt.f32 v6, $8.999999760e-01;
	vm12 =	vgt.f32 v8, $8.999999760e-01;
	v10 =	vsel vm0, $0x3649539C, v1;
	v1 =	vld [tilespmem:s3+$0xFFFFFFE0]  }
0x5b: {  	s5 =	simm.s32 $0x0;
	v5 =	vsel vm13, $0x3B449BA6, v9;
	vm0 =	vgt.f32 v7, $8.999999760e-01;
	[tilespmem:s1+$0x0] =	vst v10;
	v6 =	vsel vm11, $0x3B449BA6, v2;
	v2 =	vld [tilespmem:s3+$0xFFFFFFF0]  }
.LBB2_5:
0x5c: {  	v7 =	vld [tilespmem:s4+$0x0];
	s5 =	sadd.s32 $0x80, s5;
	v5 =	vsel vm12, $0x3649539C, v5;
	v6 =	vsel vm9, $0x3649539C, v6;
	v3 =	vsel vm10, $0x3B449BA6, v3;
	s3 =	sadd.s32 $0x400, s3  }
0x5d: {  	v8 =	vld [tilespmem:s3+$0x0];
	p1 =	slt.u32 s5, $0x780;
	[tilespmem:s1+$0xFFFFFF90] =	vst v5;
	v3 =	vsel vm4, $0x3649539C, v3;
	v0 =	vsel vm8, $0x3B449BA6, v0  }
0x5e: {  	v5 =	vld [tilespmem:s4+$0xFFFFFFA0];
	[tilespmem:s1+$0xFFFFFFA0] =	vst v6;
	v0 =	vsel vm5, $0x3649539C, v0;
	v4 =	vsel vm7, $0x3B449BA6, v4  }
0x5f: {  	v6 =	vld [tilespmem:s4+$0xFFFFFFB0];
	[tilespmem:s1+$0xFFFFFFB0] =	vst v3;
	v3 =	vsel vm2, $0x3649539C, v4;
	v1 =	vsel vm6, $0x3B449BA6, v1  }
0x60: {  	v4 =	vld [tilespmem:s4+$0xFFFFFFC0];
	[tilespmem:s1+$0xFFFFFFC0] =	vst v0  }
0x61: {  	v0 =	vsel vm1, $0x3649539C, v1;
	v1 =	vsel vm3, $0x3B449BA6, v2;
	vm1 =	vle.f32 v7, $1.000000010e-01  }
0x62: {  	v2 =	vld [tilespmem:s4+$0xFFFFFFD0];
	[tilespmem:s1+$0xFFFFFFD0] =	vst v3;
	v1 =	vsel vm0, $0x3649539C, v1;
	vm0 =	vgt.f32 v7, $8.999999760e-01  }
0x63: {  	v9 =	vld [tilespmem:s4+$0xFFFFFFE0];
	v3 =	vsel vm1, $0x3B449BA6, v8;
	[tilespmem:s1+$0xFFFFFFE0] =	vst v0;
	vm11 =	vle.f32 v5, $1.000000010e-01  }
0x64: {  	v7 =	vld [tilespmem:s4+$0xFFFFFFF0];
	v0 =	vsel vm0, $0x3649539C, v3;
	[tilespmem:s1+$0xFFFFFFF0] =	vst v1;
	s1 =	sadd.s32 $0x400, s1  }
0x65: {  	vm9 =	vgt.f32 v5, $8.999999760e-01;
	v1 =	vld [tilespmem:s4+$0xFFFFFF90];
	vm10 =	vle.f32 v6, $1.000000010e-01;
	vm4 =	vgt.f32 v6, $8.999999760e-01;
	[tilespmem:s1+$0x0] =	vst v0  }
0x66: {  	v5 =	vld [tilespmem:s3+$0xFFFFFF90];
	vm8 =	vle.f32 v4, $1.000000010e-01;
	vm5 =	vgt.f32 v4, $8.999999760e-01  }
0x67: {  	v6 =	vld [tilespmem:s3+$0xFFFFFFA0];
	vm7 =	vle.f32 v2, $1.000000010e-01;
	vm2 =	vgt.f32 v2, $8.999999760e-01  }
.Ltmp1:
0x68: {  	v3 =	vld [tilespmem:s3+$0xFFFFFFB0];
	vm6 =	vle.f32 v9, $1.000000010e-01;
	vm1 =	vgt.f32 v9, $8.999999760e-01;
	(pc) =	sbr.rel @p1 .LBB2_5-.Ltmp1, $4  }
0x69: {  	v0 =	vld [tilespmem:s3+$0xFFFFFFC0];
	vm3 =	vle.f32 v7, $1.000000010e-01;
	vm0 =	vgt.f32 v7, $8.999999760e-01  }
0x6a: {  	vm13 =	vle.f32 v1, $1.000000010e-01;
	vm12 =	vgt.f32 v1, $8.999999760e-01;
	v4 =	vld [tilespmem:s3+$0xFFFFFFD0]  }
0x6b: {  	v5 =	vsel vm13, $0x3B449BA6, v5;
	v1 =	vld [tilespmem:s3+$0xFFFFFFE0]  }
0x6c: {  	s4 =	sadd.s32 $0x400, s4;
	v6 =	vsel vm11, $0x3B449BA6, v6;
	v2 =	vld [tilespmem:s3+$0xFFFFFFF0]  }
0x6d: {  	v5 =	vsel vm12, $0x3649539C, v5  }
0x6e: {  	v6 =	vsel vm9, $0x3649539C, v6;
	v3 =	vsel vm10, $0x3B449BA6, v3;
	[tilespmem:s1+$0xFFFFFF90] =	vst v5  }
0x6f: {  	v3 =	vsel vm4, $0x3649539C, v3;
	v0 =	vsel vm8, $0x3B449BA6, v0;
	[tilespmem:s1+$0xFFFFFFA0] =	vst v6  }
0x70: {  	v0 =	vsel vm5, $0x3649539C, v0;
	v4 =	vsel vm7, $0x3B449BA6, v4;
	[tilespmem:s1+$0xFFFFFFB0] =	vst v3  }
0x71: {  	v3 =	vsel vm2, $0x3649539C, v4;
	v1 =	vsel vm6, $0x3B449BA6, v1;
	[tilespmem:s1+$0xFFFFFFC0] =	vst v0  }
0x72: {  	v0 =	vsel vm1, $0x3649539C, v1;
	v1 =	vsel vm3, $0x3B449BA6, v2;
	[tilespmem:s1+$0xFFFFFFD0] =	vst v3  }
0x73: {  	v1 =	vsel vm0, $0x3649539C, v1;
	[tilespmem:s1+$0xFFFFFFE0] =	vst v0  }
0x74: {  	[tilespmem:s1+$0xFFFFFFF0] =	vst v1  }
0x75: {  	v0 =	vld [tilespmem:s17+$0x0]  }
0x76: {  	v1 =	vld [tilespmem:s16+$0x0]  }
0x77: {  	v2 =	vld [tilespmem:s17+$0xFFFFFFA0]  }
0x78: {  	v3 =	vld [tilespmem:s17+$0xFFFFFFB0]  }
0x79: {  	v4 =	vld [tilespmem:s17+$0xFFFFFFC0]  }
0x7a: {  	v5 =	vld [tilespmem:s17+$0xFFFFFFD0]  }
0x7b: {  	v6 =	vld [tilespmem:s17+$0xFFFFFFE0]  }
0x7c: {  	v7 =	vld [tilespmem:s17+$0xFFFFFFF0]  }
0x7d: {  	v8 =	vld [tilespmem:s17+$0xFFFFFF90]  }
0x7e: {  	v9 =	vld [tilespmem:s16+$0xFFFFFF90];
	vm0 =	vle.f32 v0, $1.000000010e-01;
	vm11 =	vle.f32 v2, $1.000000010e-01  }
0x7f: {  	vm9 =	vgt.f32 v2, $8.999999760e-01;
	v2 =	vld [tilespmem:s16+$0xFFFFFFA0];
	vm10 =	vle.f32 v3, $1.000000010e-01;
	vm4 =	vgt.f32 v3, $8.999999760e-01  }
0x80: {  	vm8 =	vle.f32 v4, $1.000000010e-01;
	v3 =	vld [tilespmem:s16+$0xFFFFFFB0];
	vm5 =	vgt.f32 v4, $8.999999760e-01;
	vm7 =	vle.f32 v5, $1.000000010e-01  }
0x81: {  	vm2 =	vgt.f32 v5, $8.999999760e-01;
	v1 =	vsel vm0, $0x3B449BA6, v1;
	vm0 =	vgt.f32 v0, $8.999999760e-01;
	v0 =	vld [tilespmem:s16+$0xFFFFFFC0]  }
0x82: {  	s3 =	sadd.s32 $0x400, s17;
	vm6 =	vle.f32 v6, $1.000000010e-01;
	vm3 =	vle.f32 v7, $1.000000010e-01;
	v4 =	vld [tilespmem:s16+$0xFFFFFFD0];
	vm13 =	vle.f32 v8, $1.000000010e-01  }
0x83: {  	vm1 =	vgt.f32 v6, $8.999999760e-01;
	vm12 =	vgt.f32 v8, $8.999999760e-01;
	v10 =	vsel vm0, $0x3649539C, v1;
	v1 =	vld [tilespmem:s16+$0xFFFFFFE0]  }
0x84: {  	s1 =	simm.s32 $0x0;
	v5 =	vsel vm13, $0x3B449BA6, v9;
	vm0 =	vgt.f32 v7, $8.999999760e-01;
	[tilespmem:s15+$0x0] =	vst v10;
	v6 =	vsel vm11, $0x3B449BA6, v2;
	v2 =	vld [tilespmem:s16+$0xFFFFFFF0]  }
.LBB2_7:
0x85: {  	v7 =	vld [tilespmem:s3+$0x0];
	s1 =	sadd.s32 $0x80, s1;
	v5 =	vsel vm12, $0x3649539C, v5;
	v6 =	vsel vm9, $0x3649539C, v6;
	v3 =	vsel vm10, $0x3B449BA6, v3;
	s16 =	sadd.s32 $0x400, s16  }
0x86: {  	v8 =	vld [tilespmem:s16+$0x0];
	p1 =	slt.u32 s1, $0x780;
	[tilespmem:s15+$0xFFFFFF90] =	vst v5;
	v3 =	vsel vm4, $0x3649539C, v3;
	v0 =	vsel vm8, $0x3B449BA6, v0  }
0x87: {  	v5 =	vld [tilespmem:s3+$0xFFFFFFA0];
	[tilespmem:s15+$0xFFFFFFA0] =	vst v6;
	v0 =	vsel vm5, $0x3649539C, v0;
	v4 =	vsel vm7, $0x3B449BA6, v4  }
0x88: {  	v6 =	vld [tilespmem:s3+$0xFFFFFFB0];
	[tilespmem:s15+$0xFFFFFFB0] =	vst v3;
	v3 =	vsel vm2, $0x3649539C, v4;
	v1 =	vsel vm6, $0x3B449BA6, v1  }
0x89: {  	v4 =	vld [tilespmem:s3+$0xFFFFFFC0];
	[tilespmem:s15+$0xFFFFFFC0] =	vst v0  }
0x8a: {  	v0 =	vsel vm1, $0x3649539C, v1;
	v1 =	vsel vm3, $0x3B449BA6, v2;
	vm1 =	vle.f32 v7, $1.000000010e-01  }
0x8b: {  	v2 =	vld [tilespmem:s3+$0xFFFFFFD0];
	[tilespmem:s15+$0xFFFFFFD0] =	vst v3;
	v1 =	vsel vm0, $0x3649539C, v1;
	vm0 =	vgt.f32 v7, $8.999999760e-01  }
0x8c: {  	v9 =	vld [tilespmem:s3+$0xFFFFFFE0];
	v3 =	vsel vm1, $0x3B449BA6, v8;
	[tilespmem:s15+$0xFFFFFFE0] =	vst v0;
	vm11 =	vle.f32 v5, $1.000000010e-01  }
0x8d: {  	v7 =	vld [tilespmem:s3+$0xFFFFFFF0];
	v0 =	vsel vm0, $0x3649539C, v3;
	[tilespmem:s15+$0xFFFFFFF0] =	vst v1;
	s15 =	sadd.s32 $0x400, s15  }
0x8e: {  	vm9 =	vgt.f32 v5, $8.999999760e-01;
	v1 =	vld [tilespmem:s3+$0xFFFFFF90];
	vm10 =	vle.f32 v6, $1.000000010e-01;
	vm4 =	vgt.f32 v6, $8.999999760e-01;
	[tilespmem:s15+$0x0] =	vst v0  }
0x8f: {  	v5 =	vld [tilespmem:s16+$0xFFFFFF90];
	vm8 =	vle.f32 v4, $1.000000010e-01;
	vm5 =	vgt.f32 v4, $8.999999760e-01  }
0x90: {  	v6 =	vld [tilespmem:s16+$0xFFFFFFA0];
	vm7 =	vle.f32 v2, $1.000000010e-01;
	vm2 =	vgt.f32 v2, $8.999999760e-01  }
.Ltmp2:
0x91: {  	v3 =	vld [tilespmem:s16+$0xFFFFFFB0];
	vm6 =	vle.f32 v9, $1.000000010e-01;
	vm1 =	vgt.f32 v9, $8.999999760e-01;
	(pc) =	sbr.rel @p1 .LBB2_7-.Ltmp2, $4  }
0x92: {  	v0 =	vld [tilespmem:s16+$0xFFFFFFC0];
	vm3 =	vle.f32 v7, $1.000000010e-01;
	vm0 =	vgt.f32 v7, $8.999999760e-01  }
0x93: {  	vm13 =	vle.f32 v1, $1.000000010e-01;
	vm12 =	vgt.f32 v1, $8.999999760e-01;
	v4 =	vld [tilespmem:s16+$0xFFFFFFD0]  }
0x94: {  	v5 =	vsel vm13, $0x3B449BA6, v5;
	v1 =	vld [tilespmem:s16+$0xFFFFFFE0]  }
0x95: {  	s3 =	sadd.s32 $0x400, s3;
	v6 =	vsel vm11, $0x3B449BA6, v6;
	v2 =	vld [tilespmem:s16+$0xFFFFFFF0]  }
0x96: {  	v5 =	vsel vm12, $0x3649539C, v5  }
0x97: {  	v6 =	vsel vm9, $0x3649539C, v6;
	v3 =	vsel vm10, $0x3B449BA6, v3;
	[tilespmem:s15+$0xFFFFFF90] =	vst v5  }
0x98: {  	v3 =	vsel vm4, $0x3649539C, v3;
	v0 =	vsel vm8, $0x3B449BA6, v0;
	[tilespmem:s15+$0xFFFFFFA0] =	vst v6  }
0x99: {  	v0 =	vsel vm5, $0x3649539C, v0;
	v4 =	vsel vm7, $0x3B449BA6, v4;
	[tilespmem:s15+$0xFFFFFFB0] =	vst v3  }
0x9a: {  	v3 =	vsel vm2, $0x3649539C, v4;
	v1 =	vsel vm6, $0x3B449BA6, v1;
	[tilespmem:s15+$0xFFFFFFC0] =	vst v0  }
0x9b: {  	v0 =	vsel vm1, $0x3649539C, v1;
	v1 =	vsel vm3, $0x3B449BA6, v2;
	[tilespmem:s15+$0xFFFFFFD0] =	vst v3  }
0x9c: {  	v1 =	vsel vm0, $0x3649539C, v1;
	[tilespmem:s15+$0xFFFFFFE0] =	vst v0  }
0x9d: {  	[tilespmem:s15+$0xFFFFFFF0] =	vst v1  }
0x9e: {  	v0 =	vld [tilespmem:s11+$0x0]  }
0x9f: {  	v1 =	vld [tilespmem:s9+$0x0]  }
0xa0: {  	v2 =	vld [tilespmem:s11+$0xFFFFFFA0]  }
0xa1: {  	v3 =	vld [tilespmem:s11+$0xFFFFFFB0]  }
0xa2: {  	v4 =	vld [tilespmem:s11+$0xFFFFFFC0]  }
0xa3: {  	v5 =	vld [tilespmem:s11+$0xFFFFFFD0]  }
0xa4: {  	v6 =	vld [tilespmem:s11+$0xFFFFFFE0]  }
0xa5: {  	v7 =	vld [tilespmem:s11+$0xFFFFFFF0]  }
0xa6: {  	v8 =	vld [tilespmem:s11+$0xFFFFFF90]  }
0xa7: {  	v9 =	vld [tilespmem:s9+$0xFFFFFF90];
	vm0 =	vle.f32 v0, $1.000000010e-01;
	vm11 =	vle.f32 v2, $1.000000010e-01  }
0xa8: {  	vm9 =	vgt.f32 v2, $8.999999760e-01;
	v2 =	vld [tilespmem:s9+$0xFFFFFFA0];
	vm10 =	vle.f32 v3, $1.000000010e-01;
	vm4 =	vgt.f32 v3, $8.999999760e-01  }
0xa9: {  	vm8 =	vle.f32 v4, $1.000000010e-01;
	v3 =	vld [tilespmem:s9+$0xFFFFFFB0];
	vm5 =	vgt.f32 v4, $8.999999760e-01;
	vm7 =	vle.f32 v5, $1.000000010e-01  }
0xaa: {  	vm2 =	vgt.f32 v5, $8.999999760e-01;
	v1 =	vsel vm0, $0x3B449BA6, v1;
	vm0 =	vgt.f32 v0, $8.999999760e-01;
	v0 =	vld [tilespmem:s9+$0xFFFFFFC0]  }
0xab: {  	s3 =	sadd.s32 $0x400, s11;
	vm6 =	vle.f32 v6, $1.000000010e-01;
	vm3 =	vle.f32 v7, $1.000000010e-01;
	v4 =	vld [tilespmem:s9+$0xFFFFFFD0];
	vm13 =	vle.f32 v8, $1.000000010e-01  }
0xac: {  	vm1 =	vgt.f32 v6, $8.999999760e-01;
	vm12 =	vgt.f32 v8, $8.999999760e-01;
	v10 =	vsel vm0, $0x3649539C, v1;
	v1 =	vld [tilespmem:s9+$0xFFFFFFE0]  }
0xad: {  	s1 =	simm.s32 $0x0;
	v5 =	vsel vm13, $0x3B449BA6, v9;
	vm0 =	vgt.f32 v7, $8.999999760e-01;
	[tilespmem:s8+$0x0] =	vst v10;
	v6 =	vsel vm11, $0x3B449BA6, v2;
	v2 =	vld [tilespmem:s9+$0xFFFFFFF0]  }
.LBB2_9:
0xae: {  	v7 =	vld [tilespmem:s3+$0x0];
	s1 =	sadd.s32 $0x80, s1;
	v5 =	vsel vm12, $0x3649539C, v5;
	v6 =	vsel vm9, $0x3649539C, v6;
	v3 =	vsel vm10, $0x3B449BA6, v3;
	s9 =	sadd.s32 $0x400, s9  }
0xaf: {  	v8 =	vld [tilespmem:s9+$0x0];
	p1 =	slt.u32 s1, $0x780;
	[tilespmem:s8+$0xFFFFFF90] =	vst v5;
	v3 =	vsel vm4, $0x3649539C, v3;
	v0 =	vsel vm8, $0x3B449BA6, v0  }
0xb0: {  	v5 =	vld [tilespmem:s3+$0xFFFFFFA0];
	[tilespmem:s8+$0xFFFFFFA0] =	vst v6;
	v0 =	vsel vm5, $0x3649539C, v0;
	v4 =	vsel vm7, $0x3B449BA6, v4  }
0xb1: {  	v6 =	vld [tilespmem:s3+$0xFFFFFFB0];
	[tilespmem:s8+$0xFFFFFFB0] =	vst v3;
	v3 =	vsel vm2, $0x3649539C, v4;
	v1 =	vsel vm6, $0x3B449BA6, v1  }
0xb2: {  	v4 =	vld [tilespmem:s3+$0xFFFFFFC0];
	[tilespmem:s8+$0xFFFFFFC0] =	vst v0  }
0xb3: {  	v0 =	vsel vm1, $0x3649539C, v1;
	v1 =	vsel vm3, $0x3B449BA6, v2;
	vm1 =	vle.f32 v7, $1.000000010e-01  }
0xb4: {  	v2 =	vld [tilespmem:s3+$0xFFFFFFD0];
	[tilespmem:s8+$0xFFFFFFD0] =	vst v3;
	v1 =	vsel vm0, $0x3649539C, v1;
	vm0 =	vgt.f32 v7, $8.999999760e-01  }
0xb5: {  	v9 =	vld [tilespmem:s3+$0xFFFFFFE0];
	v3 =	vsel vm1, $0x3B449BA6, v8;
	[tilespmem:s8+$0xFFFFFFE0] =	vst v0;
	vm11 =	vle.f32 v5, $1.000000010e-01  }
0xb6: {  	v7 =	vld [tilespmem:s3+$0xFFFFFFF0];
	v0 =	vsel vm0, $0x3649539C, v3;
	[tilespmem:s8+$0xFFFFFFF0] =	vst v1;
	s8 =	sadd.s32 $0x400, s8  }
0xb7: {  	vm9 =	vgt.f32 v5, $8.999999760e-01;
	v1 =	vld [tilespmem:s3+$0xFFFFFF90];
	vm10 =	vle.f32 v6, $1.000000010e-01;
	vm4 =	vgt.f32 v6, $8.999999760e-01;
	[tilespmem:s8+$0x0] =	vst v0  }
0xb8: {  	v5 =	vld [tilespmem:s9+$0xFFFFFF90];
	vm8 =	vle.f32 v4, $1.000000010e-01;
	vm5 =	vgt.f32 v4, $8.999999760e-01  }
0xb9: {  	v6 =	vld [tilespmem:s9+$0xFFFFFFA0];
	vm7 =	vle.f32 v2, $1.000000010e-01;
	vm2 =	vgt.f32 v2, $8.999999760e-01  }
.Ltmp3:
0xba: {  	v3 =	vld [tilespmem:s9+$0xFFFFFFB0];
	vm6 =	vle.f32 v9, $1.000000010e-01;
	vm1 =	vgt.f32 v9, $8.999999760e-01;
	(pc) =	sbr.rel @p1 .LBB2_9-.Ltmp3, $4  }
0xbb: {  	v0 =	vld [tilespmem:s9+$0xFFFFFFC0];
	vm3 =	vle.f32 v7, $1.000000010e-01;
	vm0 =	vgt.f32 v7, $8.999999760e-01  }
0xbc: {  	vm13 =	vle.f32 v1, $1.000000010e-01;
	vm12 =	vgt.f32 v1, $8.999999760e-01;
	v4 =	vld [tilespmem:s9+$0xFFFFFFD0]  }
0xbd: {  	v5 =	vsel vm13, $0x3B449BA6, v5;
	v1 =	vld [tilespmem:s9+$0xFFFFFFE0]  }
0xbe: {  	s3 =	sadd.s32 $0x400, s3;
	v6 =	vsel vm11, $0x3B449BA6, v6;
	v2 =	vld [tilespmem:s9+$0xFFFFFFF0]  }
0xbf: {  	v5 =	vsel vm12, $0x3649539C, v5  }
0xc0: {  	v6 =	vsel vm9, $0x3649539C, v6;
	v3 =	vsel vm10, $0x3B449BA6, v3;
	[tilespmem:s8+$0xFFFFFF90] =	vst v5  }
0xc1: {  	v3 =	vsel vm4, $0x3649539C, v3;
	v0 =	vsel vm8, $0x3B449BA6, v0;
	[tilespmem:s8+$0xFFFFFFA0] =	vst v6  }
0xc2: {  	v0 =	vsel vm5, $0x3649539C, v0;
	v4 =	vsel vm7, $0x3B449BA6, v4;
	[tilespmem:s8+$0xFFFFFFB0] =	vst v3  }
0xc3: {  	v3 =	vsel vm2, $0x3649539C, v4;
	v1 =	vsel vm6, $0x3B449BA6, v1;
	[tilespmem:s8+$0xFFFFFFC0] =	vst v0  }
0xc4: {  	v0 =	vsel vm1, $0x3649539C, v1;
	v1 =	vsel vm3, $0x3B449BA6, v2;
	[tilespmem:s8+$0xFFFFFFD0] =	vst v3  }
0xc5: {  	v1 =	vsel vm0, $0x3649539C, v1;
	[tilespmem:s8+$0xFFFFFFE0] =	vst v0  }
0xc6: {  	[tilespmem:s8+$0xFFFFFFF0] =	vst v1  }
0xc7: {  	v0 =	vld [tilespmem:s7+$0x0]  }
0xc8: {  	v1 =	vld [tilespmem:s6+$0x0]  }
0xc9: {  	v2 =	vld [tilespmem:s7+$0xFFFFFFA0]  }
0xca: {  	v3 =	vld [tilespmem:s7+$0xFFFFFFB0]  }
0xcb: {  	v4 =	vld [tilespmem:s7+$0xFFFFFFC0]  }
0xcc: {  	v5 =	vld [tilespmem:s7+$0xFFFFFFD0]  }
0xcd: {  	v6 =	vld [tilespmem:s7+$0xFFFFFFE0]  }
0xce: {  	v7 =	vld [tilespmem:s7+$0xFFFFFFF0]  }
0xcf: {  	v8 =	vld [tilespmem:s7+$0xFFFFFF90]  }
0xd0: {  	v9 =	vld [tilespmem:s6+$0xFFFFFF90];
	vm0 =	vle.f32 v0, $1.000000010e-01;
	vm11 =	vle.f32 v2, $1.000000010e-01  }
0xd1: {  	vm9 =	vgt.f32 v2, $8.999999760e-01;
	v2 =	vld [tilespmem:s6+$0xFFFFFFA0];
	vm10 =	vle.f32 v3, $1.000000010e-01;
	vm4 =	vgt.f32 v3, $8.999999760e-01  }
0xd2: {  	vm8 =	vle.f32 v4, $1.000000010e-01;
	v3 =	vld [tilespmem:s6+$0xFFFFFFB0];
	vm5 =	vgt.f32 v4, $8.999999760e-01;
	vm7 =	vle.f32 v5, $1.000000010e-01  }
0xd3: {  	vm2 =	vgt.f32 v5, $8.999999760e-01;
	v1 =	vsel vm0, $0x3B449BA6, v1;
	vm0 =	vgt.f32 v0, $8.999999760e-01;
	v0 =	vld [tilespmem:s6+$0xFFFFFFC0]  }
0xd4: {  	s3 =	sadd.s32 $0x400, s7;
	vm6 =	vle.f32 v6, $1.000000010e-01;
	vm3 =	vle.f32 v7, $1.000000010e-01;
	v4 =	vld [tilespmem:s6+$0xFFFFFFD0];
	vm13 =	vle.f32 v8, $1.000000010e-01  }
0xd5: {  	vm1 =	vgt.f32 v6, $8.999999760e-01;
	vm12 =	vgt.f32 v8, $8.999999760e-01;
	v10 =	vsel vm0, $0x3649539C, v1;
	v1 =	vld [tilespmem:s6+$0xFFFFFFE0]  }
0xd6: {  	s1 =	simm.s32 $0x0;
	v5 =	vsel vm13, $0x3B449BA6, v9;
	vm0 =	vgt.f32 v7, $8.999999760e-01;
	[tilespmem:s14+$0x0] =	vst v10;
	v6 =	vsel vm11, $0x3B449BA6, v2;
	v2 =	vld [tilespmem:s6+$0xFFFFFFF0]  }
.LBB2_11:
0xd7: {  	v7 =	vld [tilespmem:s3+$0x0];
	s1 =	sadd.s32 $0x80, s1;
	v5 =	vsel vm12, $0x3649539C, v5;
	v6 =	vsel vm9, $0x3649539C, v6;
	v3 =	vsel vm10, $0x3B449BA6, v3;
	s6 =	sadd.s32 $0x400, s6  }
0xd8: {  	v8 =	vld [tilespmem:s6+$0x0];
	p1 =	slt.u32 s1, $0x780;
	[tilespmem:s14+$0xFFFFFF90] =	vst v5;
	v3 =	vsel vm4, $0x3649539C, v3;
	v0 =	vsel vm8, $0x3B449BA6, v0  }
0xd9: {  	v5 =	vld [tilespmem:s3+$0xFFFFFFA0];
	[tilespmem:s14+$0xFFFFFFA0] =	vst v6;
	v0 =	vsel vm5, $0x3649539C, v0;
	v4 =	vsel vm7, $0x3B449BA6, v4  }
0xda: {  	v6 =	vld [tilespmem:s3+$0xFFFFFFB0];
	[tilespmem:s14+$0xFFFFFFB0] =	vst v3;
	v3 =	vsel vm2, $0x3649539C, v4;
	v1 =	vsel vm6, $0x3B449BA6, v1  }
0xdb: {  	v4 =	vld [tilespmem:s3+$0xFFFFFFC0];
	[tilespmem:s14+$0xFFFFFFC0] =	vst v0  }
0xdc: {  	v0 =	vsel vm1, $0x3649539C, v1;
	v1 =	vsel vm3, $0x3B449BA6, v2;
	vm1 =	vle.f32 v7, $1.000000010e-01  }
0xdd: {  	v2 =	vld [tilespmem:s3+$0xFFFFFFD0];
	[tilespmem:s14+$0xFFFFFFD0] =	vst v3;
	v1 =	vsel vm0, $0x3649539C, v1;
	vm0 =	vgt.f32 v7, $8.999999760e-01  }
0xde: {  	v9 =	vld [tilespmem:s3+$0xFFFFFFE0];
	v3 =	vsel vm1, $0x3B449BA6, v8;
	[tilespmem:s14+$0xFFFFFFE0] =	vst v0;
	vm11 =	vle.f32 v5, $1.000000010e-01  }
0xdf: {  	v7 =	vld [tilespmem:s3+$0xFFFFFFF0];
	v0 =	vsel vm0, $0x3649539C, v3;
	[tilespmem:s14+$0xFFFFFFF0] =	vst v1;
	s14 =	sadd.s32 $0x400, s14  }
0xe0: {  	vm9 =	vgt.f32 v5, $8.999999760e-01;
	v1 =	vld [tilespmem:s3+$0xFFFFFF90];
	vm10 =	vle.f32 v6, $1.000000010e-01;
	vm4 =	vgt.f32 v6, $8.999999760e-01;
	[tilespmem:s14+$0x0] =	vst v0  }
0xe1: {  	v5 =	vld [tilespmem:s6+$0xFFFFFF90];
	vm8 =	vle.f32 v4, $1.000000010e-01;
	vm5 =	vgt.f32 v4, $8.999999760e-01  }
0xe2: {  	v6 =	vld [tilespmem:s6+$0xFFFFFFA0];
	vm7 =	vle.f32 v2, $1.000000010e-01;
	vm2 =	vgt.f32 v2, $8.999999760e-01  }
.Ltmp4:
0xe3: {  	v3 =	vld [tilespmem:s6+$0xFFFFFFB0];
	vm6 =	vle.f32 v9, $1.000000010e-01;
	vm1 =	vgt.f32 v9, $8.999999760e-01;
	(pc) =	sbr.rel @p1 .LBB2_11-.Ltmp4, $4  }
0xe4: {  	v0 =	vld [tilespmem:s6+$0xFFFFFFC0];
	vm3 =	vle.f32 v7, $1.000000010e-01;
	vm0 =	vgt.f32 v7, $8.999999760e-01  }
0xe5: {  	vm13 =	vle.f32 v1, $1.000000010e-01;
	vm12 =	vgt.f32 v1, $8.999999760e-01;
	v4 =	vld [tilespmem:s6+$0xFFFFFFD0]  }
0xe6: {  	v5 =	vsel vm13, $0x3B449BA6, v5;
	v1 =	vld [tilespmem:s6+$0xFFFFFFE0]  }
0xe7: {  	s3 =	sadd.s32 $0x400, s3;
	v6 =	vsel vm11, $0x3B449BA6, v6;
	v2 =	vld [tilespmem:s6+$0xFFFFFFF0]  }
0xe8: {  	v5 =	vsel vm12, $0x3649539C, v5  }
0xe9: {  	v6 =	vsel vm9, $0x3649539C, v6;
	v3 =	vsel vm10, $0x3B449BA6, v3;
	[tilespmem:s14+$0xFFFFFF90] =	vst v5  }
0xea: {  	v3 =	vsel vm4, $0x3649539C, v3;
	v0 =	vsel vm8, $0x3B449BA6, v0;
	[tilespmem:s14+$0xFFFFFFA0] =	vst v6  }
0xeb: {  	v0 =	vsel vm5, $0x3649539C, v0;
	v4 =	vsel vm7, $0x3B449BA6, v4;
	[tilespmem:s14+$0xFFFFFFB0] =	vst v3  }
0xec: {  	v3 =	vsel vm2, $0x3649539C, v4;
	v1 =	vsel vm6, $0x3B449BA6, v1;
	[tilespmem:s14+$0xFFFFFFC0] =	vst v0  }
0xed: {  	v0 =	vsel vm1, $0x3649539C, v1;
	v1 =	vsel vm3, $0x3B449BA6, v2;
	[tilespmem:s14+$0xFFFFFFD0] =	vst v3  }
0xee: {  	v1 =	vsel vm0, $0x3649539C, v1;
	[tilespmem:s14+$0xFFFFFFE0] =	vst v0  }
0xef: {  	[tilespmem:s14+$0xFFFFFFF0] =	vst v1  }
0xf0: {  	v0 =	vld [tilespmem:s13+$0x0]  }
0xf1: {  	v1 =	vld [tilespmem:s12+$0x0]  }
0xf2: {  	v2 =	vld [tilespmem:s13+$0xFFFFFFA0]  }
0xf3: {  	v3 =	vld [tilespmem:s13+$0xFFFFFFB0]  }
0xf4: {  	v4 =	vld [tilespmem:s13+$0xFFFFFFC0]  }
0xf5: {  	v5 =	vld [tilespmem:s13+$0xFFFFFFD0]  }
0xf6: {  	v6 =	vld [tilespmem:s13+$0xFFFFFFE0]  }
0xf7: {  	v7 =	vld [tilespmem:s13+$0xFFFFFFF0]  }
0xf8: {  	v8 =	vld [tilespmem:s13+$0xFFFFFF90]  }
0xf9: {  	v9 =	vld [tilespmem:s12+$0xFFFFFF90];
	vm0 =	vle.f32 v0, $1.000000010e-01;
	vm11 =	vle.f32 v2, $1.000000010e-01  }
0xfa: {  	vm9 =	vgt.f32 v2, $8.999999760e-01;
	v2 =	vld [tilespmem:s12+$0xFFFFFFA0];
	vm10 =	vle.f32 v3, $1.000000010e-01;
	vm4 =	vgt.f32 v3, $8.999999760e-01  }
0xfb: {  	vm8 =	vle.f32 v4, $1.000000010e-01;
	v3 =	vld [tilespmem:s12+$0xFFFFFFB0];
	vm5 =	vgt.f32 v4, $8.999999760e-01;
	vm7 =	vle.f32 v5, $1.000000010e-01  }
0xfc: {  	vm2 =	vgt.f32 v5, $8.999999760e-01;
	v1 =	vsel vm0, $0x3B449BA6, v1;
	vm0 =	vgt.f32 v0, $8.999999760e-01;
	v0 =	vld [tilespmem:s12+$0xFFFFFFC0]  }
0xfd: {  	s3 =	sadd.s32 $0x400, s13;
	vm6 =	vle.f32 v6, $1.000000010e-01;
	vm3 =	vle.f32 v7, $1.000000010e-01;
	v4 =	vld [tilespmem:s12+$0xFFFFFFD0];
	vm13 =	vle.f32 v8, $1.000000010e-01  }
0xfe: {  	vm1 =	vgt.f32 v6, $8.999999760e-01;
	vm12 =	vgt.f32 v8, $8.999999760e-01;
	v10 =	vsel vm0, $0x3649539C, v1;
	v1 =	vld [tilespmem:s12+$0xFFFFFFE0]  }
0xff: {  	s1 =	simm.s32 $0x0;
	v5 =	vsel vm13, $0x3B449BA6, v9;
	vm0 =	vgt.f32 v7, $8.999999760e-01;
	[tilespmem:s0+$0x0] =	vst v10;
	v6 =	vsel vm11, $0x3B449BA6, v2;
	v2 =	vld [tilespmem:s12+$0xFFFFFFF0]  }
.LBB2_13:
0x100: {  	v7 =	vld [tilespmem:s3+$0x0];
	s1 =	sadd.s32 $0x80, s1;
	v5 =	vsel vm12, $0x3649539C, v5;
	v6 =	vsel vm9, $0x3649539C, v6;
	v3 =	vsel vm10, $0x3B449BA6, v3;
	s12 =	sadd.s32 $0x400, s12  }
0x101: {  	v8 =	vld [tilespmem:s12+$0x0];
	p1 =	slt.u32 s1, $0x780;
	[tilespmem:s0+$0xFFFFFF90] =	vst v5;
	v3 =	vsel vm4, $0x3649539C, v3;
	v0 =	vsel vm8, $0x3B449BA6, v0  }
0x102: {  	v5 =	vld [tilespmem:s3+$0xFFFFFFA0];
	[tilespmem:s0+$0xFFFFFFA0] =	vst v6;
	v0 =	vsel vm5, $0x3649539C, v0;
	v4 =	vsel vm7, $0x3B449BA6, v4  }
0x103: {  	v6 =	vld [tilespmem:s3+$0xFFFFFFB0];
	[tilespmem:s0+$0xFFFFFFB0] =	vst v3;
	v3 =	vsel vm2, $0x3649539C, v4;
	v1 =	vsel vm6, $0x3B449BA6, v1  }
0x104: {  	v4 =	vld [tilespmem:s3+$0xFFFFFFC0];
	[tilespmem:s0+$0xFFFFFFC0] =	vst v0  }
0x105: {  	v0 =	vsel vm1, $0x3649539C, v1;
	v1 =	vsel vm3, $0x3B449BA6, v2;
	vm1 =	vle.f32 v7, $1.000000010e-01  }
0x106: {  	v2 =	vld [tilespmem:s3+$0xFFFFFFD0];
	[tilespmem:s0+$0xFFFFFFD0] =	vst v3;
	v1 =	vsel vm0, $0x3649539C, v1;
	vm0 =	vgt.f32 v7, $8.999999760e-01  }
0x107: {  	v9 =	vld [tilespmem:s3+$0xFFFFFFE0];
	v3 =	vsel vm1, $0x3B449BA6, v8;
	[tilespmem:s0+$0xFFFFFFE0] =	vst v0;
	vm11 =	vle.f32 v5, $1.000000010e-01  }
0x108: {  	v7 =	vld [tilespmem:s3+$0xFFFFFFF0];
	v0 =	vsel vm0, $0x3649539C, v3;
	[tilespmem:s0+$0xFFFFFFF0] =	vst v1;
	s0 =	sadd.s32 $0x400, s0  }
0x109: {  	vm9 =	vgt.f32 v5, $8.999999760e-01;
	v1 =	vld [tilespmem:s3+$0xFFFFFF90];
	vm10 =	vle.f32 v6, $1.000000010e-01;
	vm4 =	vgt.f32 v6, $8.999999760e-01;
	[tilespmem:s0+$0x0] =	vst v0  }
0x10a: {  	v5 =	vld [tilespmem:s12+$0xFFFFFF90];
	vm8 =	vle.f32 v4, $1.000000010e-01;
	vm5 =	vgt.f32 v4, $8.999999760e-01  }
0x10b: {  	v6 =	vld [tilespmem:s12+$0xFFFFFFA0];
	vm7 =	vle.f32 v2, $1.000000010e-01;
	vm2 =	vgt.f32 v2, $8.999999760e-01  }
.Ltmp5:
0x10c: {  	v3 =	vld [tilespmem:s12+$0xFFFFFFB0];
	vm6 =	vle.f32 v9, $1.000000010e-01;
	vm1 =	vgt.f32 v9, $8.999999760e-01;
	(pc) =	sbr.rel @p1 .LBB2_13-.Ltmp5, $4  }
0x10d: {  	v0 =	vld [tilespmem:s12+$0xFFFFFFC0];
	vm3 =	vle.f32 v7, $1.000000010e-01;
	vm0 =	vgt.f32 v7, $8.999999760e-01  }
0x10e: {  	vm13 =	vle.f32 v1, $1.000000010e-01;
	vm12 =	vgt.f32 v1, $8.999999760e-01;
	v4 =	vld [tilespmem:s12+$0xFFFFFFD0]  }
0x10f: {  	v5 =	vsel vm13, $0x3B449BA6, v5;
	v1 =	vld [tilespmem:s12+$0xFFFFFFE0]  }
0x110: {  	s3 =	sadd.s32 $0x400, s3;
	v6 =	vsel vm11, $0x3B449BA6, v6;
	v2 =	vld [tilespmem:s12+$0xFFFFFFF0]  }
0x111: {  	v5 =	vsel vm12, $0x3649539C, v5  }
0x112: {  	v6 =	vsel vm9, $0x3649539C, v6;
	v3 =	vsel vm10, $0x3B449BA6, v3;
	[tilespmem:s0+$0xFFFFFF90] =	vst v5  }
0x113: {  	v3 =	vsel vm4, $0x3649539C, v3;
	v0 =	vsel vm8, $0x3B449BA6, v0;
	[tilespmem:s0+$0xFFFFFFA0] =	vst v6  }
0x114: {  	v0 =	vsel vm5, $0x3649539C, v0;
	v4 =	vsel vm7, $0x3B449BA6, v4;
	[tilespmem:s0+$0xFFFFFFB0] =	vst v3  }
0x115: {  	v3 =	vsel vm2, $0x3649539C, v4;
	v1 =	vsel vm6, $0x3B449BA6, v1;
	[tilespmem:s0+$0xFFFFFFC0] =	vst v0  }
0x116: {  	v0 =	vsel vm1, $0x3649539C, v1;
	v1 =	vsel vm3, $0x3B449BA6, v2;
	[tilespmem:s0+$0xFFFFFFD0] =	vst v3  }
0x117: {  	v1 =	vsel vm0, $0x3649539C, v1;
	[tilespmem:s0+$0xFFFFFFE0] =	vst v0  }
0x118: {  	[tilespmem:s0+$0xFFFFFFF0] =	vst v1  }
0x119: {  	v0 =	vld [tilespmem:s2+$0x0]  }
0x11a: {  	v1 =	vld [tilespmem:s31+$0x0]  }
0x11b: {  	v2 =	vld [tilespmem:s2+$0xFFFFFFA0]  }
0x11c: {  	v3 =	vld [tilespmem:s2+$0xFFFFFFB0]  }
0x11d: {  	v4 =	vld [tilespmem:s2+$0xFFFFFFC0]  }
0x11e: {  	v5 =	vld [tilespmem:s2+$0xFFFFFFD0]  }
0x11f: {  	v6 =	vld [tilespmem:s2+$0xFFFFFFE0]  }
0x120: {  	v7 =	vld [tilespmem:s2+$0xFFFFFFF0]  }
0x121: {  	v8 =	vld [tilespmem:s2+$0xFFFFFF90]  }
0x122: {  	v9 =	vld [tilespmem:s31+$0xFFFFFF90];
	vm0 =	vle.f32 v0, $1.000000010e-01;
	vm11 =	vle.f32 v2, $1.000000010e-01  }
0x123: {  	vm9 =	vgt.f32 v2, $8.999999760e-01;
	v2 =	vld [tilespmem:s31+$0xFFFFFFA0];
	vm10 =	vle.f32 v3, $1.000000010e-01;
	vm4 =	vgt.f32 v3, $8.999999760e-01  }
0x124: {  	vm8 =	vle.f32 v4, $1.000000010e-01;
	v3 =	vld [tilespmem:s31+$0xFFFFFFB0];
	vm5 =	vgt.f32 v4, $8.999999760e-01;
	vm7 =	vle.f32 v5, $1.000000010e-01  }
0x125: {  	vm2 =	vgt.f32 v5, $8.999999760e-01;
	v1 =	vsel vm0, $0x3B449BA6, v1;
	vm0 =	vgt.f32 v0, $8.999999760e-01;
	v0 =	vld [tilespmem:s31+$0xFFFFFFC0]  }
0x126: {  	s1 =	sadd.s32 $0x400, s2;
	vm6 =	vle.f32 v6, $1.000000010e-01;
	vm3 =	vle.f32 v7, $1.000000010e-01;
	v4 =	vld [tilespmem:s31+$0xFFFFFFD0];
	vm13 =	vle.f32 v8, $1.000000010e-01  }
0x127: {  	vm1 =	vgt.f32 v6, $8.999999760e-01;
	vm12 =	vgt.f32 v8, $8.999999760e-01;
	v10 =	vsel vm0, $0x3649539C, v1;
	v1 =	vld [tilespmem:s31+$0xFFFFFFE0]  }
0x128: {  	s0 =	simm.s32 $0x0;
	v5 =	vsel vm13, $0x3B449BA6, v9;
	vm0 =	vgt.f32 v7, $8.999999760e-01;
	[tilespmem:s30+$0x0] =	vst v10;
	v6 =	vsel vm11, $0x3B449BA6, v2;
	v2 =	vld [tilespmem:s31+$0xFFFFFFF0]  }
.LBB2_15:
0x129: {  	v7 =	vld [tilespmem:s1+$0x0];
	s0 =	sadd.s32 $0x80, s0;
	v5 =	vsel vm12, $0x3649539C, v5;
	v6 =	vsel vm9, $0x3649539C, v6;
	v3 =	vsel vm10, $0x3B449BA6, v3;
	s31 =	sadd.s32 $0x400, s31  }
0x12a: {  	v8 =	vld [tilespmem:s31+$0x0];
	p1 =	slt.u32 s0, $0x780;
	[tilespmem:s30+$0xFFFFFF90] =	vst v5;
	v3 =	vsel vm4, $0x3649539C, v3;
	v0 =	vsel vm8, $0x3B449BA6, v0  }
0x12b: {  	v5 =	vld [tilespmem:s1+$0xFFFFFFA0];
	[tilespmem:s30+$0xFFFFFFA0] =	vst v6;
	v0 =	vsel vm5, $0x3649539C, v0;
	v4 =	vsel vm7, $0x3B449BA6, v4  }
0x12c: {  	v6 =	vld [tilespmem:s1+$0xFFFFFFB0];
	[tilespmem:s30+$0xFFFFFFB0] =	vst v3;
	v3 =	vsel vm2, $0x3649539C, v4;
	v1 =	vsel vm6, $0x3B449BA6, v1  }
0x12d: {  	v4 =	vld [tilespmem:s1+$0xFFFFFFC0];
	[tilespmem:s30+$0xFFFFFFC0] =	vst v0  }
0x12e: {  	v0 =	vsel vm1, $0x3649539C, v1;
	v1 =	vsel vm3, $0x3B449BA6, v2;
	vm1 =	vle.f32 v7, $1.000000010e-01  }
0x12f: {  	v2 =	vld [tilespmem:s1+$0xFFFFFFD0];
	[tilespmem:s30+$0xFFFFFFD0] =	vst v3;
	v1 =	vsel vm0, $0x3649539C, v1;
	vm0 =	vgt.f32 v7, $8.999999760e-01  }
0x130: {  	v9 =	vld [tilespmem:s1+$0xFFFFFFE0];
	v3 =	vsel vm1, $0x3B449BA6, v8;
	[tilespmem:s30+$0xFFFFFFE0] =	vst v0;
	vm11 =	vle.f32 v5, $1.000000010e-01  }
0x131: {  	v7 =	vld [tilespmem:s1+$0xFFFFFFF0];
	v0 =	vsel vm0, $0x3649539C, v3;
	[tilespmem:s30+$0xFFFFFFF0] =	vst v1;
	s30 =	sadd.s32 $0x400, s30  }
0x132: {  	vm9 =	vgt.f32 v5, $8.999999760e-01;
	v1 =	vld [tilespmem:s1+$0xFFFFFF90];
	vm10 =	vle.f32 v6, $1.000000010e-01;
	vm4 =	vgt.f32 v6, $8.999999760e-01;
	[tilespmem:s30+$0x0] =	vst v0  }
0x133: {  	v5 =	vld [tilespmem:s31+$0xFFFFFF90];
	vm8 =	vle.f32 v4, $1.000000010e-01;
	vm5 =	vgt.f32 v4, $8.999999760e-01  }
0x134: {  	v6 =	vld [tilespmem:s31+$0xFFFFFFA0];
	vm7 =	vle.f32 v2, $1.000000010e-01;
	vm2 =	vgt.f32 v2, $8.999999760e-01  }
.Ltmp6:
0x135: {  	v3 =	vld [tilespmem:s31+$0xFFFFFFB0];
	vm6 =	vle.f32 v9, $1.000000010e-01;
	vm1 =	vgt.f32 v9, $8.999999760e-01;
	(pc) =	sbr.rel @p1 .LBB2_15-.Ltmp6, $4  }
0x136: {  	v0 =	vld [tilespmem:s31+$0xFFFFFFC0];
	vm3 =	vle.f32 v7, $1.000000010e-01;
	vm0 =	vgt.f32 v7, $8.999999760e-01  }
0x137: {  	vm13 =	vle.f32 v1, $1.000000010e-01;
	vm12 =	vgt.f32 v1, $8.999999760e-01;
	v4 =	vld [tilespmem:s31+$0xFFFFFFD0]  }
0x138: {  	v5 =	vsel vm13, $0x3B449BA6, v5;
	v1 =	vld [tilespmem:s31+$0xFFFFFFE0]  }
0x139: {  	s1 =	sadd.s32 $0x400, s1;
	v6 =	vsel vm11, $0x3B449BA6, v6;
	v2 =	vld [tilespmem:s31+$0xFFFFFFF0]  }
0x13a: {  	v5 =	vsel vm12, $0x3649539C, v5  }
0x13b: {  	v6 =	vsel vm9, $0x3649539C, v6;
	v3 =	vsel vm10, $0x3B449BA6, v3;
	[tilespmem:s30+$0xFFFFFF90] =	vst v5  }
0x13c: {  	v3 =	vsel vm4, $0x3649539C, v3;
	v0 =	vsel vm8, $0x3B449BA6, v0;
	[tilespmem:s30+$0xFFFFFFA0] =	vst v6  }
0x13d: {  	v0 =	vsel vm5, $0x3649539C, v0;
	v4 =	vsel vm7, $0x3B449BA6, v4;
	[tilespmem:s30+$0xFFFFFFB0] =	vst v3  }
0x13e: {  	v3 =	vsel vm2, $0x3649539C, v4;
	v1 =	vsel vm6, $0x3B449BA6, v1;
	[tilespmem:s30+$0xFFFFFFC0] =	vst v0  }
0x13f: {  	v0 =	vsel vm1, $0x3649539C, v1;
	v1 =	vsel vm3, $0x3B449BA6, v2;
	[tilespmem:s30+$0xFFFFFFD0] =	vst v3  }
0x140: {  	v1 =	vsel vm0, $0x3649539C, v1;
	[tilespmem:s30+$0xFFFFFFE0] =	vst v0  }
0x141: {  	[tilespmem:s30+$0xFFFFFFF0] =	vst v1  }
0x142: {  	v0 =	vld [tilespmem:s29+$0x0]  }
0x143: {  	v1 =	vld [tilespmem:s23+$0x0]  }
0x144: {  	v2 =	vld [tilespmem:s29+$0xFFFFFFA0]  }
0x145: {  	v3 =	vld [tilespmem:s29+$0xFFFFFFB0]  }
0x146: {  	v4 =	vld [tilespmem:s29+$0xFFFFFFC0]  }
0x147: {  	v5 =	vld [tilespmem:s29+$0xFFFFFFD0]  }
0x148: {  	v6 =	vld [tilespmem:s29+$0xFFFFFFE0]  }
0x149: {  	v7 =	vld [tilespmem:s29+$0xFFFFFFF0]  }
0x14a: {  	v8 =	vld [tilespmem:s29+$0xFFFFFF90]  }
0x14b: {  	v9 =	vld [tilespmem:s23+$0xFFFFFF90];
	vm0 =	vle.f32 v0, $1.000000010e-01;
	vm11 =	vle.f32 v2, $1.000000010e-01  }
0x14c: {  	v10 =	vld [tilespmem:s23+$0xFFFFFFA0];
	vm9 =	vgt.f32 v2, $8.999999760e-01;
	vm10 =	vle.f32 v3, $1.000000010e-01;
	vm4 =	vgt.f32 v3, $8.999999760e-01  }
0x14d: {  	vm8 =	vle.f32 v4, $1.000000010e-01;
	v2 =	vld [tilespmem:s23+$0xFFFFFFB0];
	vm5 =	vgt.f32 v4, $8.999999760e-01;
	vm6 =	vle.f32 v5, $1.000000010e-01  }
0x14e: {  	vm1 =	vgt.f32 v5, $8.999999760e-01;
	v1 =	vsel vm0, $0x3B449BA6, v1;
	vm0 =	vgt.f32 v0, $8.999999760e-01;
	v0 =	vld [tilespmem:s23+$0xFFFFFFC0]  }
0x14f: {  	vm7 =	vle.f32 v6, $1.000000010e-01;
	vm3 =	vle.f32 v7, $1.000000010e-01;
	v3 =	vld [tilespmem:s23+$0xFFFFFFD0];
	vm13 =	vle.f32 v8, $1.000000010e-01  }
0x150: {  	s1 =	sadd.s32 $0x400, s29;
	vm2 =	vgt.f32 v6, $8.999999760e-01;
	vm12 =	vgt.f32 v8, $8.999999760e-01;
	v4 =	vld [tilespmem:s23+$0xFFFFFFE0];
	v1 =	vsel vm0, $0x3649539C, v1  }
0x151: {  	s0 =	simm.s32 $0x0;
	v5 =	vsel vm13, $0x3B449BA6, v9;
	v6 =	vsel vm11, $0x3B449BA6, v10;
	vm0 =	vgt.f32 v7, $8.999999760e-01;
	[tilespmem:s22+$0x0] =	vst v1;
	v1 =	vld [tilespmem:s23+$0xFFFFFFF0]  }
.LBB2_17:
0x152: {  	v7 =	vld [tilespmem:s1+$0x0];
	s0 =	sadd.s32 $0x80, s0;
	v5 =	vsel vm12, $0x3649539C, v5;
	v6 =	vsel vm9, $0x3649539C, v6;
	v2 =	vsel vm10, $0x3B449BA6, v2;
	s23 =	sadd.s32 $0x400, s23  }
0x153: {  	v8 =	vld [tilespmem:s23+$0x0];
	p1 =	slt.u32 s0, $0x780;
	[tilespmem:s22+$0xFFFFFF90] =	vst v5;
	v2 =	vsel vm4, $0x3649539C, v2;
	v0 =	vsel vm8, $0x3B449BA6, v0  }
0x154: {  	v5 =	vld [tilespmem:s1+$0xFFFFFFA0];
	[tilespmem:s22+$0xFFFFFFA0] =	vst v6;
	v0 =	vsel vm5, $0x3649539C, v0;
	v3 =	vsel vm6, $0x3B449BA6, v3  }
0x155: {  	v6 =	vld [tilespmem:s1+$0xFFFFFFB0];
	[tilespmem:s22+$0xFFFFFFB0] =	vst v2;
	v2 =	vsel vm1, $0x3649539C, v3;
	v3 =	vsel vm7, $0x3B449BA6, v4  }
0x156: {  	v4 =	vld [tilespmem:s1+$0xFFFFFFC0];
	[tilespmem:s22+$0xFFFFFFC0] =	vst v0  }
0x157: {  	v0 =	vsel vm2, $0x3649539C, v3;
	v1 =	vsel vm3, $0x3B449BA6, v1;
	vm1 =	vle.f32 v7, $1.000000010e-01  }
0x158: {  	v3 =	vld [tilespmem:s1+$0xFFFFFFD0];
	[tilespmem:s22+$0xFFFFFFD0] =	vst v2;
	v1 =	vsel vm0, $0x3649539C, v1;
	vm0 =	vgt.f32 v7, $8.999999760e-01  }
0x159: {  	v9 =	vld [tilespmem:s1+$0xFFFFFFE0];
	v2 =	vsel vm1, $0x3B449BA6, v8;
	[tilespmem:s22+$0xFFFFFFE0] =	vst v0;
	vm11 =	vle.f32 v5, $1.000000010e-01  }
0x15a: {  	v7 =	vld [tilespmem:s1+$0xFFFFFFF0];
	v0 =	vsel vm0, $0x3649539C, v2;
	[tilespmem:s22+$0xFFFFFFF0] =	vst v1;
	s22 =	sadd.s32 $0x400, s22  }
0x15b: {  	vm9 =	vgt.f32 v5, $8.999999760e-01;
	v1 =	vld [tilespmem:s1+$0xFFFFFF90];
	vm10 =	vle.f32 v6, $1.000000010e-01;
	vm4 =	vgt.f32 v6, $8.999999760e-01;
	[tilespmem:s22+$0x0] =	vst v0  }
0x15c: {  	v5 =	vld [tilespmem:s23+$0xFFFFFF90];
	vm8 =	vle.f32 v4, $1.000000010e-01;
	vm5 =	vgt.f32 v4, $8.999999760e-01  }
0x15d: {  	v6 =	vld [tilespmem:s23+$0xFFFFFFA0];
	vm6 =	vle.f32 v3, $1.000000010e-01;
	vm1 =	vgt.f32 v3, $8.999999760e-01  }
.Ltmp7:
0x15e: {  	v2 =	vld [tilespmem:s23+$0xFFFFFFB0];
	vm7 =	vle.f32 v9, $1.000000010e-01;
	vm2 =	vgt.f32 v9, $8.999999760e-01;
	(pc) =	sbr.rel @p1 .LBB2_17-.Ltmp7, $4  }
0x15f: {  	v0 =	vld [tilespmem:s23+$0xFFFFFFC0];
	vm3 =	vle.f32 v7, $1.000000010e-01;
	vm0 =	vgt.f32 v7, $8.999999760e-01  }
0x160: {  	vm13 =	vle.f32 v1, $1.000000010e-01;
	vm12 =	vgt.f32 v1, $8.999999760e-01;
	v3 =	vld [tilespmem:s23+$0xFFFFFFD0]  }
0x161: {  	v5 =	vsel vm13, $0x3B449BA6, v5;
	v4 =	vld [tilespmem:s23+$0xFFFFFFE0]  }
0x162: {  	s1 =	sadd.s32 $0x400, s1;
	v6 =	vsel vm11, $0x3B449BA6, v6;
	v1 =	vld [tilespmem:s23+$0xFFFFFFF0]  }
0x163: {  	v5 =	vsel vm12, $0x3649539C, v5  }
0x164: {  	v6 =	vsel vm9, $0x3649539C, v6;
	v2 =	vsel vm10, $0x3B449BA6, v2;
	[tilespmem:s22+$0xFFFFFF90] =	vst v5  }
0x165: {  	v2 =	vsel vm4, $0x3649539C, v2;
	v0 =	vsel vm8, $0x3B449BA6, v0;
	[tilespmem:s22+$0xFFFFFFA0] =	vst v6  }
0x166: {  	v0 =	vsel vm5, $0x3649539C, v0;
	v3 =	vsel vm6, $0x3B449BA6, v3;
	[tilespmem:s22+$0xFFFFFFB0] =	vst v2  }
0x167: {  	v3 =	vsel vm1, $0x3649539C, v3;
	[tilespmem:s22+$0xFFFFFFC0] =	vst v0  }
0x168: {  	v62 =	vsel vm7, $0x3B449BA6, v4;
	[tilespmem:s22+$0xFFFFFFD0] =	vst v3  }
0x169: {  	v63 =	vsel vm2, $0x3649539C, v62;
	s3 =	rddreg [dreg:$0x9]  }
0x16a: {  	s1 =	sshll.u32 s21, $0xB;
	v1 =	vsel vm3, $0x3B449BA6, v1;
	s0 =	rddreg [dreg:$0xe];
	[tilespmem:s22+$0xFFFFFFE0] =	vst v63  }
0x16b: {  	s30 =	sadd.s32 $0x5, s21;
	v1 =	vsel vm0, $0x3649539C, v1;
	s0 =	sadd.s32 s3, s0;
	s2 =	rddreg [dreg:$0x4]  }
0x16c: {  	s31 =	simm.s32 $0x0;
	[tilespmem:s22+$0xFFFFFFF0] =	vst v1;
	s0 =	sshll.u32 s0, $0xC;
	s1 =	sadd.s32 s2, s1  }
0x16d: {  	p1 =	sgt.u32 s18, $0x37;
	s4 =	rddreg [dreg:$0xd];
	s0 =	sadd.s32 s0, s1  }
0x16e: {  	[hbm4b:s0+s31] =	stream.linear.scatter [tilespmem:s4], [sflag:s30], $0x4000, $0x38;
	[tilespmem:$0x18000] =	vst v63  }
0x16f: {  	s0 =	sadd.s32 @!p1 $0x2, s18  }
0x170: {  	s0 =	sshrl.u32 @!p1 s0, $0x1  }
0x171: {  	s1 =	sshll.u32 @!p1 s18, $0xB;
	s0 =	sadd.s32 @!p1 s3, s0  }
0x172: {  	s1 =	sand.u32 @!p1 $0x800, s1;
	s0 =	sshll.u32 @!p1 s0, $0xC  }
0x173: {  	s0 =	sor.u32 @!p1 s1, s0;
	s1 =	rddreg [dreg:$0x0]  }
0x174: {  	s2 =	simm.s32 @!p1 $0x0;
	s1 =	sadd.s32 @!p1 s1, s0  }
0x175: {  	[tilespmem:s24], [sflag:s19] =	stream.linear.gather @!p1 [hbm4b:s1+s2], $0x4000, $0x38;
	[tilespmem:$0x18000] =	vst v63  }
0x176: {  	s1 =	rddreg [dreg:$0x1]  }
0x177: {  	s18 =	sadd.s32 $0x1, s18;
	s0 =	sadd.s32 @!p1 s1, s0;
	s1 =	rddreg [dreg:$0xc]  }
0x178: {  	[tilespmem:s1], [sflag:s20] =	stream.linear.gather @!p1 [hbm4b:s0+s2], $0x4000, $0x38;
	[tilespmem:$0x18000] =	vst v63  }
0x179: {  	p1 =	sne.s32 s18, $0x3A  }
.Ltmp8:
0x17a: {  	_ = 	snop;
	(pc) =	sbr.rel @p1 .LBB2_2-.Ltmp8, $2  }
0x17b: {  	_ =	sdelay $0x2  }
0x17c: {  	p0 =	por !p0, !p0  }
0x17d: {  	s0 =	simm.s32 $0x5  }
0x17e: {  	_ =	swait.ge [sflag:s0], $0x4000  }
0x17f: {  	[sflag:s0] =	ssyncset.done $0x0  }
0x180: {  	s1 =	simm.s32 $0x6;
	[sflag:s0] =	ssyncadd.s32 $0xFFFFC000  }
0x181: {  	_ =	swait.ge [sflag:s1], $0x4000  }
0x182: {  	s2 =	rddreg [dreg:$0xb]  }
0x183: {  	s31 =	rddreg [dreg:$0xa];
	s2 =	sadd.s32 $0x1, s2  }
0x184: {  	p0 =	sne.s32 s2, s31  }
.Ltmp9:
0x185: {  	_ = 	snop;
	(pc) =	sbr.rel @p0 .LBB2_1-.Ltmp9, $3  }
0x186: {  	_ =	sdelay $0x1  }
0x187: {  	[sflag:s1] =	ssyncset.done $0x0  }
0x188: {  	[sflag:s1] =	ssyncadd.s32 $0xFFFFC000  }
0x189: {  	_ =	sfence.sel $0x180000  }
0x18a: {  	[bflag:$0x0] =	sbarrier.arrive $0xFFFF  }
0x18b: {  	_ =	strace $0x90000047  }
0x18c: {  	s0 =	stileid.u32;
	[bflag:$0x2] =	sbarrier.arrive $0xFFFF  }
0x18d: {  	p0 =	sne.s32 s0, $0x0;
	s0 =	rddreg [dreg:$0x3]  }
0x18e: {  	s0 =	sadd.s32 @!p0 $0x100000, s0  }
0x18f: {  	[sflag:s0] =	ssyncadd.tile.s32 @!p0 $0x1;
	_ =	shalt  }
.Lfunc_end2:
_tile_overlayer_lowered:
.L_overlay_start_2:
0x190: {  	(tag) =	ssettag $0x2  }
0x191: {  	s0 =	rddreg [dreg:$0x0];
	s2 =	stileid.u32  }
0x192: {  	s1 =	rddreg [dreg:$0x1];
	p0 =	sne.s32 s2, $0x0  }
0x193: {  	s3 =	rddreg [dreg:$0x2];
	[bflag:$0x3] =	sbarrier.arrive $0xFFFF;
	s2 =	simm.s32 @!p0 $0x1C07  }
0x194: {  	[timem:s3], [sflag:s2] =	dma.local @!p0 [hbm:s0], s1  }
0x195: {  	s0 =	simm.s32 @!p0 $0x7  }
0x196: {  	_ =	swait.ge @!p0 [sflag:s0], s1  }
0x197: {  	s1 =	ssub.s32 @!p0 $0x0, s1;
	[sflag:s0] =	ssyncset.done @!p0 $0x0  }
0x198: {  	[sflag:s0] =	ssyncadd.s32 @!p0 s1  }
0x199: {  	[bflag:$0x3] =	sbarrier.arrive $0xFFFF  }
0x19a: {  	_ =	shalt  }

</sc_bundles>
